<compile_context>
chip_gen: v7x
topology: tpu7x:2x2x1
jax: 0.10.2.dev20260603
libtpu: 0.0.44.dev20260713+nightly
codegen_flags: <defaults>
</compile_context>

<pallas_src>
import functools

import jax
import jax.numpy as jnp
from jax import lax
from jax.experimental import pallas as pl
from jax.experimental.pallas import tpu as pltpu
from jax.experimental.pallas import tpu_sc as plsc

N = 10000
D = 128
E = 320000
NC = 2
NS = 16
NPAD = 10240
DEG_PER_TILE = NPAD // NS
EDGES_PER_CORE = E // NC
EDGES_PER_TILE = EDGES_PER_CORE // NS
EB = 80
STEPS = EDGES_PER_TILE // EB
ROWS_PER_TILE = NPAD // NS
ZROWS = 128


DNB = 5


def _sc_deg(dst):
  mesh = plsc.VectorSubcoreMesh(core_axis_name="c", subcore_axis_name="s")

  @functools.partial(
      pl.kernel,
      mesh=mesh,
      out_type=(
          jax.ShapeDtypeStruct((NPAD,), jnp.float32),
          jax.ShapeDtypeStruct((NPAD,), jnp.float32),
      ),
      scratch_types=[
          pltpu.VMEM((DEG_PER_TILE,), jnp.float32),
          pltpu.VMEM((EB,), jnp.float32),
          [pltpu.VMEM((EB,), jnp.int32)] * DNB,
          [pltpu.SemaphoreType.DMA] * DNB,
          [pltpu.SemaphoreType.DMA] * DNB,
          pltpu.VMEM_SHARED((NPAD,), jnp.float32),
      ],
  )
  def k(dst_hbm, d0_hbm, d1_hbm, zbuf, ones, idx, isem, ssem, deg_sh):
    cid = lax.axis_index("c")
    sid = lax.axis_index("s")

    def zfill(i, _):
      zbuf[pl.ds(i * 16, 16)] = jnp.zeros((16,), jnp.float32)
      return 0
    lax.fori_loop(0, DEG_PER_TILE // 16, zfill, 0)

    def ofill(i, _):
      ones[pl.ds(i * 16, 16)] = jnp.ones((16,), jnp.float32)
      return 0
    lax.fori_loop(0, EB // 16, ofill, 0)

    sl = pl.ds(sid * DEG_PER_TILE, DEG_PER_TILE)
    pltpu.sync_copy(zbuf, deg_sh.at[sl])
    plsc.subcore_barrier()

    base = cid * EDGES_PER_CORE + sid * EDGES_PER_TILE

    def idx_copy(b, step_idx):
      return pltpu.make_async_copy(
          dst_hbm.at[pl.ds(base + step_idx * EB, EB)], idx[b], isem[b])

    def scat_start(b):
      pltpu.async_copy(ones, deg_sh.at[idx[b]], ssem[b], add=True)

    def scat_wait(b):
      pltpu.make_async_copy(ones, deg_sh.at[idx[b]], ssem[b]).wait()

    for b in range(3):
      idx_copy(b, b).start()

    def outer(o, _):
      for b in range(DNB):
        j = o * DNB + b
        bd = (b + 3) % DNB
        idx_copy(b, 0).wait()
        scat_start(b)

        @pl.when(j + 3 < STEPS)
        def _():
          @pl.when(j >= 2)
          def _():
            scat_wait(bd)
          idx_copy(bd, j + 3).start()
      return 0
    lax.fori_loop(0, STEPS // DNB, outer, 0)
    for b in range(DNB):
      scat_wait(b)
    plsc.subcore_barrier()

    @pl.when(cid == 0)
    def _():
      pltpu.sync_copy(deg_sh.at[sl], d0_hbm.at[sl])

    @pl.when(cid == 1)
    def _():
      pltpu.sync_copy(deg_sh.at[sl], d1_hbm.at[sl])

  return k(dst)


NBUF = 4
OUTER = (STEPS - 1) // NBUF


def _sc_scatter(xs, src, dst):
  mesh = plsc.VectorSubcoreMesh(core_axis_name="c", subcore_axis_name="s")

  @functools.partial(
      pl.kernel,
      mesh=mesh,
      out_type=(
          jax.ShapeDtypeStruct((NPAD, D), jnp.float32),
          jax.ShapeDtypeStruct((NPAD, D), jnp.float32),
      ),
      scratch_types=[
          [pltpu.VMEM((EB,), jnp.int32)] * NBUF,
          [pltpu.VMEM((EB,), jnp.int32)] * NBUF,
          [pltpu.VMEM((EB, D), jnp.float32)] * NBUF,
          [pltpu.SemaphoreType.DMA] * NBUF,
          [pltpu.SemaphoreType.DMA] * NBUF,
          pltpu.VMEM_SHARED((NPAD, D), jnp.float32),
      ],
  )
  def k(xs_hbm, src_hbm, dst_hbm, a0_hbm, a1_hbm,
        sidx, didx, rows, gsem, isem, agg_sh):
    cid = lax.axis_index("c")
    sid = lax.axis_index("s")

    def zfill(i, _):
      rows[0][i // 8, pl.ds((i % 8) * 16, 16)] = jnp.zeros((16,), jnp.float32)
      return 0
    lax.fori_loop(0, EB * 8, zfill, 0)
    row0 = sid * ROWS_PER_TILE
    for j in range(ROWS_PER_TILE // EB):
      pltpu.sync_copy(rows[0], agg_sh.at[pl.ds(row0 + j * EB, EB)])
    plsc.subcore_barrier()

    base = cid * EDGES_PER_CORE + sid * EDGES_PER_TILE

    def idx_copies(b, step_idx):
      off = base + step_idx * EB
      return (pltpu.make_async_copy(src_hbm.at[pl.ds(off, EB)], sidx[b],
                                    isem[b]),
              pltpu.make_async_copy(dst_hbm.at[pl.ds(off, EB)], didx[b],
                                    isem[b]))

    def gather(b):
      return pltpu.make_async_copy(xs_hbm.at[sidx[b]], rows[b], gsem[b])

    for b in range(NBUF - 1):
      for c in idx_copies(b, b):
        c.start()
        c.wait()
    for c in idx_copies(NBUF - 1, NBUF - 1):
      c.start()
    for b in range(NBUF - 1):
      gather(b).start()

    def outer(o, _):
      for b in range(NBUF):
        j = o * NBUF + b
        bp = (b + NBUF - 1) % NBUF
        gather(b).wait()
        pltpu.sync_copy(rows[b], agg_sh.at[didx[b]], add=True)

        @pl.when(j + NBUF < STEPS)
        def _():
          for c in idx_copies(b, j + NBUF):
            c.start()

        @pl.when(j + NBUF - 1 < STEPS)
        def _():
          for c in idx_copies(bp, 0):
            c.wait()
          gather(bp).start()
      return 0
    lax.fori_loop(0, OUTER, outer, 0)

    gather(0).wait()
    pltpu.sync_copy(rows[0], agg_sh.at[didx[0]], add=True)
    plsc.subcore_barrier()

    rsl = pl.ds(row0, ROWS_PER_TILE)

    @pl.when(cid == 0)
    def _():
      pltpu.sync_copy(agg_sh.at[rsl], a0_hbm.at[rsl])

    @pl.when(cid == 1)
    def _():
      pltpu.sync_copy(agg_sh.at[rsl], a1_hbm.at[rsl])

  return k(xs, src, dst)


def _tc_prescale(x, d0, d1):
  R = 5000

  def body(x_ref, d0_ref, d1_ref, xs_ref):
    deg = d0_ref[...] + d1_ref[...]
    dinv = 1.0 / jnp.sqrt(deg + 1.0)
    xs_ref[...] = x_ref[...] * dinv

  return pl.pallas_call(
      body,
      grid=(N // R,),
      in_specs=[
          pl.BlockSpec((R, D), lambda i: (i, 0)),
          pl.BlockSpec((R, 1), lambda i: (i, 0)),
          pl.BlockSpec((R, 1), lambda i: (i, 0)),
      ],
      out_specs=pl.BlockSpec((R, D), lambda i: (i, 0)),
      out_shape=jax.ShapeDtypeStruct((N, D), jnp.float32),
  )(x, d0, d1)


def _tc_finish(a0, a1, x, d0, d1, W, b, gamma, beta):
  R = 5000

  def body(a0_ref, a1_ref, x_ref, d0_ref, d1_ref, w_ref, b_ref, g_ref,
           bt_ref, o_ref):
    deg = d0_ref[...] + d1_ref[...]
    dinv = 1.0 / jnp.sqrt(deg + 1.0)
    agg = (a0_ref[...] + a1_ref[...]) * dinv + x_ref[...]
    z = lax.dot_general(agg, w_ref[...], (((1,), (1,)), ((), ())),
                        preferred_element_type=jnp.float32) + b_ref[...]
    h = 0.5 * z * (1.0 + lax.erf(z * (2.0 ** -0.5)))
    mu = jnp.mean(h, axis=1, keepdims=True)
    c = h - mu
    var = jnp.mean(c * c, axis=1, keepdims=True)
    o_ref[...] = (c / jnp.sqrt(var + 1e-5)) * g_ref[...] + bt_ref[...]

  full = lambda i: (0, 0)
  return pl.pallas_call(
      body,
      grid=(N // R,),
      in_specs=[
          pl.BlockSpec((R, D), lambda i: (i, 0)),
          pl.BlockSpec((R, D), lambda i: (i, 0)),
          pl.BlockSpec((R, D), lambda i: (i, 0)),
          pl.BlockSpec((R, 1), lambda i: (i, 0)),
          pl.BlockSpec((R, 1), lambda i: (i, 0)),
          pl.BlockSpec((D, D), full),
          pl.BlockSpec((1, D), full),
          pl.BlockSpec((1, D), full),
          pl.BlockSpec((1, D), full),
      ],
      out_specs=pl.BlockSpec((R, D), lambda i: (i, 0)),
      out_shape=jax.ShapeDtypeStruct((N, D), jnp.float32),
  )(a0, a1, x, d0, d1, W, b.reshape(1, D), gamma.reshape(1, D),
    beta.reshape(1, D))


def kernel(x, edge_index, W, b, gamma, beta):
  src = edge_index[0]
  dst = edge_index[1]
  d0p, d1p = _sc_deg(dst)
  d0 = d0p.reshape(NPAD, 1)
  d1 = d1p.reshape(NPAD, 1)
  xs = _tc_prescale(x, d0, d1)
  a0p, a1p = _sc_scatter(xs, src, dst)
  return _tc_finish(a0p, a1p, x, d0, d1, W, b, gamma, beta)

# --- scband reference (transcript-rebuilt; emitter-appended) ---
"""Pipeline reference for scband-gcnlayer-21492016349947 (READ-ONLY COPY).

The authoritative reference and input builder live on the scoring server;
editing this copy changes nothing except your own understanding.
"""

import jax, jax.numpy as jnp
import numpy as np

N = 10000
E = 320000
D = 128

def setup_inputs(seed: int = 0) -> dict:
    key = jax.random.key(seed)
    k1, k2, k3 = jax.random.split(key, 3)
    x = jax.random.normal(k1, (N, D), dtype=jnp.float32)
    edge_index = jax.random.randint(k2, (2, E), 0, N)
    # Linear params (nn.Linear(in_dim=128, out_dim=128)): W [out, in], b [out]
    W = jax.random.normal(k3, (D, D), dtype=jnp.float32) * (1.0 / np.sqrt(D))
    b = jnp.zeros((D,), dtype=jnp.float32)
    # LayerNorm params
    gamma = jnp.ones((D,), dtype=jnp.float32)
    beta = jnp.zeros((D,), dtype=jnp.float32)
    return {"x": x, "edge_index": edge_index, "W": W, "b": b, "gamma": gamma, "beta": beta}

def reference(x, edge_index, W, b, gamma, beta):
    n = x.shape[0]
    src = edge_index[0]
    dst = edge_index[1]
    # degree via scatter-add of ones at dst
    deg = jnp.zeros((n,), dtype=x.dtype).at[dst].add(1.0)
    deg_inv = (deg + 1.0) ** -0.5
    # gather source features, scale by src deg_inv
    msgs = x[src] * deg_inv[src][:, None]
    # scatter-add messages to destination nodes
    agg = jnp.zeros_like(x).at[dst].add(msgs)
    agg = agg * deg_inv[:, None] + x
    # Linear -> GELU (exact, erf-based, matching torch default) -> (dropout: identity in eval) -> LayerNorm
    h = jax.nn.gelu(agg @ W.T + b, approximate=False)
    mu = jnp.mean(h, axis=-1, keepdims=True)
    var = jnp.mean((h - mu) ** 2, axis=-1, keepdims=True)
    h = (h - mu) / jnp.sqrt(var + 1e-5)
    return h * gamma + beta

if __name__ == "__main__":
    import jax
    _d = setup_inputs()
    print(jax.jit(kernel)(*tuple(_d.values())))

</pallas_src>

<mosaic_0001>
#map = affine_map<(d0, d1) -> (0)>
module attributes {stable_mosaic.version = 14 : i64} {
  func.func @k(%arg0: i32, %arg1: i32, %arg2: memref<320000xi32, #tpu.memory_space<hbm>>, %arg3: memref<10240xf32, #tpu.memory_space<hbm>>, %arg4: memref<10240xf32, #tpu.memory_space<hbm>>, %arg5: memref<640xf32, #tpu.memory_space<vmem>>, %arg6: memref<80xf32, #tpu.memory_space<vmem>>, %arg7: memref<80xi32, #tpu.memory_space<vmem>>, %arg8: memref<80xi32, #tpu.memory_space<vmem>>, %arg9: memref<80xi32, #tpu.memory_space<vmem>>, %arg10: memref<80xi32, #tpu.memory_space<vmem>>, %arg11: memref<80xi32, #tpu.memory_space<vmem>>, %arg12: memref<!tpu.dma_semaphore, #tpu.memory_space<semaphore_mem>>, %arg13: memref<!tpu.dma_semaphore, #tpu.memory_space<semaphore_mem>>, %arg14: memref<!tpu.dma_semaphore, #tpu.memory_space<semaphore_mem>>, %arg15: memref<!tpu.dma_semaphore, #tpu.memory_space<semaphore_mem>>, %arg16: memref<!tpu.dma_semaphore, #tpu.memory_space<semaphore_mem>>, %arg17: memref<!tpu.dma_semaphore, #tpu.memory_space<semaphore_mem>>, %arg18: memref<!tpu.dma_semaphore, #tpu.memory_space<semaphore_mem>>, %arg19: memref<!tpu.dma_semaphore, #tpu.memory_space<semaphore_mem>>, %arg20: memref<!tpu.dma_semaphore, #tpu.memory_space<semaphore_mem>>, %arg21: memref<!tpu.dma_semaphore, #tpu.memory_space<semaphore_mem>>, %arg22: memref<10240xf32, #tpu.memory_space<vmem_shared>>) attributes {dimension_semantics = [#tpu.dimension_semantics<core_parallel>, #tpu.dimension_semantics<subcore_parallel>], iteration_bounds = array<i64: 2, 16>, scalar_prefetch = 0 : i64, scratch_operands = 18 : i64, tpu.core_type = #tpu.core_type<sc_vector_subcore>, window_params = [{transform_indices = #map}, {transform_indices = #map}, {transform_indices = #map}]} {
    %scan3A = arith.constant 0 : i32
    %scan3A_0 = arith.constant 0 : i32
    %scan3A_1 = arith.constant 40 : i32
    %scan3A_2 = arith.addi %scan3A_0, %scan3A_1 : i32
    %scan3A_3 = arith.constant 1 : i32
    %scan3A_4 = scf.for %scan3A_53 = %scan3A_0 to %scan3A_2 step %scan3A_3 iter_args(%scan3A_54 = %scan3A) -> (i32)  : i32 {
      %broadcast_in_dim3A = arith.constant 0.000000e+00 : f32
      %broadcast_in_dim3A_55 = vector.broadcast %broadcast_in_dim3A : f32 to vector<16xf32>
      %mul3A_56 = arith.constant 16 : i32
      %mul3A_57 = arith.muli %scan3A_53, %mul3A_56 : i32
      %swap3A = arith.index_cast %mul3A_57 : i32 to index
      %swap3A_58 = tpu.vector_load %arg5[%swap3A] {strides = array<i32>} : memref<640xf32, #tpu.memory_space<vmem>>, vector<16xf32>,
      %swap3A_59 = vector.shape_cast %swap3A_58 : vector<16xf32> to vector<16xf32>
      %swap3A_60 = vector.shape_cast %broadcast_in_dim3A_55 : vector<16xf32> to vector<16xf32>
      tpu.vector_store %arg5[%swap3A], %swap3A_60 {strides = array<i32>} : memref<640xf32, #tpu.memory_space<vmem>>, vector<16xf32>,
      %scan3A_61 = arith.constant 0 : i32
      scf.yield %scan3A_61 : i32
    }
    %scan3A_5 = arith.constant 40 : i32
    %scan3A_6 = arith.constant 0 : i32
    %scan3A_7 = arith.constant 0 : i32
    %scan3A_8 = arith.constant 5 : i32
    %scan3A_9 = arith.addi %scan3A_7, %scan3A_8 : i32
    %scan3A_10 = arith.constant 1 : i32
    %scan3A_11 = scf.for %scan3A_53 = %scan3A_7 to %scan3A_9 step %scan3A_10 iter_args(%scan3A_54 = %scan3A_6) -> (i32)  : i32 {
      %broadcast_in_dim3A = arith.constant 1.000000e+00 : f32
      %broadcast_in_dim3A_55 = vector.broadcast %broadcast_in_dim3A : f32 to vector<16xf32>
      %mul3A_56 = arith.constant 16 : i32
      %mul3A_57 = arith.muli %scan3A_53, %mul3A_56 : i32
      %swap3A = arith.index_cast %mul3A_57 : i32 to index
      %swap3A_58 = tpu.vector_load %arg6[%swap3A] {strides = array<i32>} : memref<80xf32, #tpu.memory_space<vmem>>, vector<16xf32>,
      %swap3A_59 = vector.shape_cast %swap3A_58 : vector<16xf32> to vector<16xf32>
      %swap3A_60 = vector.shape_cast %broadcast_in_dim3A_55 : vector<16xf32> to vector<16xf32>
      tpu.vector_store %arg6[%swap3A], %swap3A_60 {strides = array<i32>} : memref<80xf32, #tpu.memory_space<vmem>>, vector<16xf32>,
      %scan3A_61 = arith.constant 0 : i32
      scf.yield %scan3A_61 : i32
    }
    %scan3A_12 = arith.constant 5 : i32
    %mul3A = arith.constant 640 : i32
    %mul3A_13 = arith.muli %arg1, %mul3A : i32
    "tpu.region"() ({
      %run_scoped3A = tpu.sem_alloc : memref<!tpu.dma_semaphore, #tpu.memory_space<semaphore_mem>>
      %dma_start3A_53 = tpu.memref_slice %arg22[%mul3A_13] : memref<10240xf32, #tpu.memory_space<vmem_shared>> -> memref<640xf32, #tpu.memory_space<vmem_shared>>
      %dma_start3A_54 = tpu.memref_slice %arg22[%mul3A_13] : memref<10240xf32, #tpu.memory_space<vmem_shared>> -> memref<640xf32, #tpu.memory_space<vmem_shared>>
      tpu.enqueue_dma source(%arg5 : memref<640xf32, #tpu.memory_space<vmem>>) target(%dma_start3A_54 : memref<640xf32, #tpu.memory_space<vmem_shared>>) target_semaphore(%run_scoped3A : memref<!tpu.dma_semaphore, #tpu.memory_space<semaphore_mem>>)
      %dma_wait3A_55 = tpu.memref_slice %arg22[%mul3A_13] : memref<10240xf32, #tpu.memory_space<vmem_shared>> -> memref<640xf32, #tpu.memory_space<vmem_shared>>
      %dma_wait3A_56 = tpu.memref_slice %arg22[%mul3A_13] : memref<10240xf32, #tpu.memory_space<vmem_shared>> -> memref<640xf32, #tpu.memory_space<vmem_shared>>
      tpu.wait_dma2 semaphore(%run_scoped3A : memref<!tpu.dma_semaphore, #tpu.memory_space<semaphore_mem>>) src(%arg5 : memref<640xf32, #tpu.memory_space<vmem>>) dst(%dma_wait3A_56 : memref<640xf32, #tpu.memory_space<vmem_shared>>)
      tpu.yield
    }) : () -> ()
    %barrier3A = arith.constant 0 : index
    tpu.barrier barrier_id(%barrier3A)
    %mul3A_14 = arith.constant 160000 : i32
    %mul3A_15 = arith.muli %arg0, %mul3A_14 : i32
    %mul3A_16 = arith.constant 10000 : i32
    %mul3A_17 = arith.muli %arg1, %mul3A_16 : i32
    %add3A = arith.addi %mul3A_15, %mul3A_17 : i32
    %add3A_18 = arith.constant 0 : i32
    %add3A_19 = arith.addi %add3A, %add3A_18 : i32
    %dma_start3A = tpu.memref_slice %arg2[%add3A_19] : memref<320000xi32, #tpu.memory_space<hbm>> -> memref<80xi32, #tpu.memory_space<hbm>>
    %dma_start3A_20 = tpu.memref_slice %arg2[%add3A_19] : memref<320000xi32, #tpu.memory_space<hbm>> -> memref<80xi32, #tpu.memory_space<hbm>>
    tpu.enqueue_dma source(%dma_start3A_20 : memref<80xi32, #tpu.memory_space<hbm>>) target(%arg7 : memref<80xi32, #tpu.memory_space<vmem>>) target_semaphore(%arg12 : memref<!tpu.dma_semaphore, #tpu.memory_space<semaphore_mem>>)
    %add3A_21 = arith.constant 80 : i32
    %add3A_22 = arith.addi %add3A, %add3A_21 : i32
    %dma_start3A_23 = tpu.memref_slice %arg2[%add3A_22] : memref<320000xi32, #tpu.memory_space<hbm>> -> memref<80xi32, #tpu.memory_space<hbm>>
    %dma_start3A_24 = tpu.memref_slice %arg2[%add3A_22] : memref<320000xi32, #tpu.memory_space<hbm>> -> memref<80xi32, #tpu.memory_space<hbm>>
    tpu.enqueue_dma source(%dma_start3A_24 : memref<80xi32, #tpu.memory_space<hbm>>) target(%arg8 : memref<80xi32, #tpu.memory_space<vmem>>) target_semaphore(%arg13 : memref<!tpu.dma_semaphore, #tpu.memory_space<semaphore_mem>>)
    %add3A_25 = arith.constant 160 : i32
    %add3A_26 = arith.addi %add3A, %add3A_25 : i32
    %dma_start3A_27 = tpu.memref_slice %arg2[%add3A_26] : memref<320000xi32, #tpu.memory_space<hbm>> -> memref<80xi32, #tpu.memory_space<hbm>>
    %dma_start3A_28 = tpu.memref_slice %arg2[%add3A_26] : memref<320000xi32, #tpu.memory_space<hbm>> -> memref<80xi32, #tpu.memory_space<hbm>>
    tpu.enqueue_dma source(%dma_start3A_28 : memref<80xi32, #tpu.memory_space<hbm>>) target(%arg9 : memref<80xi32, #tpu.memory_space<vmem>>) target_semaphore(%arg14 : memref<!tpu.dma_semaphore, #tpu.memory_space<semaphore_mem>>)
    %scan3A_29 = arith.constant 0 : i32
    %scan3A_30 = arith.constant 0 : i32
    %scan3A_31 = arith.constant 25 : i32
    %scan3A_32 = arith.addi %scan3A_30, %scan3A_31 : i32
    %scan3A_33 = arith.constant 1 : i32
    %scan3A_34 = scf.for %scan3A_53 = %scan3A_30 to %scan3A_32 step %scan3A_33 iter_args(%scan3A_54 = %scan3A_29) -> (i32)  : i32 {
      %mul3A_55 = arith.constant 5 : i32
      %mul3A_56 = arith.muli %scan3A_53, %mul3A_55 : i32
      %add3A_57 = arith.constant 0 : i32
      %add3A_58 = arith.addi %mul3A_56, %add3A_57 : i32
      %add3A_59 = arith.constant 0 : i32
      %add3A_60 = arith.addi %add3A, %add3A_59 : i32
      %dma_wait3A_61 = tpu.memref_slice %arg2[%add3A_60] : memref<320000xi32, #tpu.memory_space<hbm>> -> memref<80xi32, #tpu.memory_space<hbm>>
      %dma_wait3A_62 = tpu.memref_slice %arg2[%add3A_60] : memref<320000xi32, #tpu.memory_space<hbm>> -> memref<80xi32, #tpu.memory_space<hbm>>
      tpu.wait_dma2 semaphore(%arg12 : memref<!tpu.dma_semaphore, #tpu.memory_space<semaphore_mem>>) src(%dma_wait3A_62 : memref<80xi32, #tpu.memory_space<hbm>>) dst(%arg7 : memref<80xi32, #tpu.memory_space<vmem>>)
      %dma_start3A_63 = arith.constant 0 : i32
      %dma_start3A_64 = tpu.memref_slice %arg22[%dma_start3A_63] : memref<10240xf32, #tpu.memory_space<vmem_shared>> -> memref<10240xf32, #tpu.memory_space<vmem_shared>>
      tpu.enqueue_indirect_dma source(%arg6 : memref<80xf32, #tpu.memory_space<vmem>>) target(%dma_start3A_64 : memref<10240xf32, #tpu.memory_space<vmem_shared>>) offsets(%arg7 : memref<80xi32, #tpu.memory_space<vmem>>) semaphore(%arg17 : memref<!tpu.dma_semaphore, #tpu.memory_space<semaphore_mem>>) {add = true}
      %add3A_65 = arith.constant 3 : i32
      %add3A_66 = arith.addi %add3A_58, %add3A_65 : i32
      %lt3A = arith.constant 125 : i32
      %lt3A_67 = arith.cmpi slt, %add3A_66, %lt3A : i32
      %convert_element_type3A_68 = arith.extui %lt3A_67 : i1 to i32
      %cond3A_69 = arith.constant 0 : i32
      %cond3A_70 = arith.cmpi ne, %convert_element_type3A_68, %cond3A_69 : i32
      scf.if %cond3A_70 {
        %ge3A = arith.constant 2 : i32
        %ge3A_140 = arith.cmpi sge, %add3A_58, %ge3A : i32
        %convert_element_type3A_141 = arith.extui %ge3A_140 : i1 to i32
        %cond3A_142 = arith.constant 0 : i32
        %cond3A_143 = arith.cmpi ne, %convert_element_type3A_141, %cond3A_142 : i32
        scf.if %cond3A_143 {
          %dma_wait3A_151 = arith.constant 0 : i32
          %dma_wait3A_152 = tpu.memref_slice %arg22[%dma_wait3A_151] : memref<10240xf32, #tpu.memory_space<vmem_shared>> -> memref<10240xf32, #tpu.memory_space<vmem_shared>>
          tpu.wait_indirect_dma semaphore(%arg20 : memref<!tpu.dma_semaphore, #tpu.memory_space<semaphore_mem>>) src(%arg6 : memref<80xf32, #tpu.memory_space<vmem>>) dst(%dma_wait3A_152 : memref<10240xf32, #tpu.memory_space<vmem_shared>>)
        } else {
        }
        %add3A_144 = arith.constant 3 : i32
        %add3A_145 = arith.addi %add3A_58, %add3A_144 : i32
        %mul3A_146 = arith.constant 80 : i32
        %mul3A_147 = arith.muli %add3A_145, %mul3A_146 : i32
        %add3A_148 = arith.addi %add3A, %mul3A_147 : i32
        %dma_start3A_149 = tpu.memref_slice %arg2[%add3A_148] : memref<320000xi32, #tpu.memory_space<hbm>> -> memref<80xi32, #tpu.memory_space<hbm>>
        %dma_start3A_150 = tpu.memref_slice %arg2[%add3A_148] : memref<320000xi32, #tpu.memory_space<hbm>> -> memref<80xi32, #tpu.memory_space<hbm>>
        tpu.enqueue_dma source(%dma_start3A_150 : memref<80xi32, #tpu.memory_space<hbm>>) target(%arg10 : memref<80xi32, #tpu.memory_space<vmem>>) target_semaphore(%arg15 : memref<!tpu.dma_semaphore, #tpu.memory_space<semaphore_mem>>)
      } else {
      }
      %mul3A_71 = arith.constant 5 : i32
      %mul3A_72 = arith.muli %scan3A_53, %mul3A_71 : i32
      %add3A_73 = arith.constant 1 : i32
      %add3A_74 = arith.addi %mul3A_72, %add3A_73 : i32
      %add3A_75 = arith.constant 0 : i32
      %add3A_76 = arith.addi %add3A, %add3A_75 : i32
      %dma_wait3A_77 = tpu.memref_slice %arg2[%add3A_76] : memref<320000xi32, #tpu.memory_space<hbm>> -> memref<80xi32, #tpu.memory_space<hbm>>
      %dma_wait3A_78 = tpu.memref_slice %arg2[%add3A_76] : memref<320000xi32, #tpu.memory_space<hbm>> -> memref<80xi32, #tpu.memory_space<hbm>>
      tpu.wait_dma2 semaphore(%arg13 : memref<!tpu.dma_semaphore, #tpu.memory_space<semaphore_mem>>) src(%dma_wait3A_78 : memref<80xi32, #tpu.memory_space<hbm>>) dst(%arg8 : memref<80xi32, #tpu.memory_space<vmem>>)
      %dma_start3A_79 = arith.constant 0 : i32
      %dma_start3A_80 = tpu.memref_slice %arg22[%dma_start3A_79] : memref<10240xf32, #tpu.memory_space<vmem_shared>> -> memref<10240xf32, #tpu.memory_space<vmem_shared>>
      tpu.enqueue_indirect_dma source(%arg6 : memref<80xf32, #tpu.memory_space<vmem>>) target(%dma_start3A_80 : memref<10240xf32, #tpu.memory_space<vmem_shared>>) offsets(%arg8 : memref<80xi32, #tpu.memory_space<vmem>>) semaphore(%arg18 : memref<!tpu.dma_semaphore, #tpu.memory_space<semaphore_mem>>) {add = true}
      %add3A_81 = arith.constant 3 : i32
      %add3A_82 = arith.addi %add3A_74, %add3A_81 : i32
      %lt3A_83 = arith.constant 125 : i32
      %lt3A_84 = arith.cmpi slt, %add3A_82, %lt3A_83 : i32
      %convert_element_type3A_85 = arith.extui %lt3A_84 : i1 to i32
      %cond3A_86 = arith.constant 0 : i32
      %cond3A_87 = arith.cmpi ne, %convert_element_type3A_85, %cond3A_86 : i32
      scf.if %cond3A_87 {
        %ge3A = arith.constant 2 : i32
        %ge3A_140 = arith.cmpi sge, %add3A_74, %ge3A : i32
        %convert_element_type3A_141 = arith.extui %ge3A_140 : i1 to i32
        %cond3A_142 = arith.constant 0 : i32
        %cond3A_143 = arith.cmpi ne, %convert_element_type3A_141, %cond3A_142 : i32
        scf.if %cond3A_143 {
          %dma_wait3A_151 = arith.constant 0 : i32
          %dma_wait3A_152 = tpu.memref_slice %arg22[%dma_wait3A_151] : memref<10240xf32, #tpu.memory_space<vmem_shared>> -> memref<10240xf32, #tpu.memory_space<vmem_shared>>
          tpu.wait_indirect_dma semaphore(%arg21 : memref<!tpu.dma_semaphore, #tpu.memory_space<semaphore_mem>>) src(%arg6 : memref<80xf32, #tpu.memory_space<vmem>>) dst(%dma_wait3A_152 : memref<10240xf32, #tpu.memory_space<vmem_shared>>)
        } else {
        }
        %add3A_144 = arith.constant 3 : i32
        %add3A_145 = arith.addi %add3A_74, %add3A_144 : i32
        %mul3A_146 = arith.constant 80 : i32
        %mul3A_147 = arith.muli %add3A_145, %mul3A_146 : i32
        %add3A_148 = arith.addi %add3A, %mul3A_147 : i32
        %dma_start3A_149 = tpu.memref_slice %arg2[%add3A_148] : memref<320000xi32, #tpu.memory_space<hbm>> -> memref<80xi32, #tpu.memory_space<hbm>>
        %dma_start3A_150 = tpu.memref_slice %arg2[%add3A_148] : memref<320000xi32, #tpu.memory_space<hbm>> -> memref<80xi32, #tpu.memory_space<hbm>>
        tpu.enqueue_dma source(%dma_start3A_150 : memref<80xi32, #tpu.memory_space<hbm>>) target(%arg11 : memref<80xi32, #tpu.memory_space<vmem>>) target_semaphore(%arg16 : memref<!tpu.dma_semaphore, #tpu.memory_space<semaphore_mem>>)
      } else {
      }
      %mul3A_88 = arith.constant 5 : i32
      %mul3A_89 = arith.muli %scan3A_53, %mul3A_88 : i32
      %add3A_90 = arith.constant 2 : i32
      %add3A_91 = arith.addi %mul3A_89, %add3A_90 : i32
      %add3A_92 = arith.constant 0 : i32
      %add3A_93 = arith.addi %add3A, %add3A_92 : i32
      %dma_wait3A_94 = tpu.memref_slice %arg2[%add3A_93] : memref<320000xi32, #tpu.memory_space<hbm>> -> memref<80xi32, #tpu.memory_space<hbm>>
      %dma_wait3A_95 = tpu.memref_slice %arg2[%add3A_93] : memref<320000xi32, #tpu.memory_space<hbm>> -> memref<80xi32, #tpu.memory_space<hbm>>
      tpu.wait_dma2 semaphore(%arg14 : memref<!tpu.dma_semaphore, #tpu.memory_space<semaphore_mem>>) src(%dma_wait3A_95 : memref<80xi32, #tpu.memory_space<hbm>>) dst(%arg9 : memref<80xi32, #tpu.memory_space<vmem>>)
      %dma_start3A_96 = arith.constant 0 : i32
      %dma_start3A_97 = tpu.memref_slice %arg22[%dma_start3A_96] : memref<10240xf32, #tpu.memory_space<vmem_shared>> -> memref<10240xf32, #tpu.memory_space<vmem_shared>>
      tpu.enqueue_indirect_dma source(%arg6 : memref<80xf32, #tpu.memory_space<vmem>>) target(%dma_start3A_97 : memref<10240xf32, #tpu.memory_space<vmem_shared>>) offsets(%arg9 : memref<80xi32, #tpu.memory_space<vmem>>) semaphore(%arg19 : memref<!tpu.dma_semaphore, #tpu.memory_space<semaphore_mem>>) {add = true}
      %add3A_98 = arith.constant 3 : i32
      %add3A_99 = arith.addi %add3A_91, %add3A_98 : i32
      %lt3A_100 = arith.constant 125 : i32
      %lt3A_101 = arith.cmpi slt, %add3A_99, %lt3A_100 : i32
      %convert_element_type3A_102 = arith.extui %lt3A_101 : i1 to i32
      %cond3A_103 = arith.constant 0 : i32
      %cond3A_104 = arith.cmpi ne, %convert_element_type3A_102, %cond3A_103 : i32
      scf.if %cond3A_104 {
        %ge3A = arith.constant 2 : i32
        %ge3A_140 = arith.cmpi sge, %add3A_91, %ge3A : i32
        %convert_element_type3A_141 = arith.extui %ge3A_140 : i1 to i32
        %cond3A_142 = arith.constant 0 : i32
        %cond3A_143 = arith.cmpi ne, %convert_element_type3A_141, %cond3A_142 : i32
        scf.if %cond3A_143 {
          %dma_wait3A_151 = arith.constant 0 : i32
          %dma_wait3A_152 = tpu.memref_slice %arg22[%dma_wait3A_151] : memref<10240xf32, #tpu.memory_space<vmem_shared>> -> memref<10240xf32, #tpu.memory_space<vmem_shared>>
          tpu.wait_indirect_dma semaphore(%arg17 : memref<!tpu.dma_semaphore, #tpu.memory_space<semaphore_mem>>) src(%arg6 : memref<80xf32, #tpu.memory_space<vmem>>) dst(%dma_wait3A_152 : memref<10240xf32, #tpu.memory_space<vmem_shared>>)
        } else {
        }
        %add3A_144 = arith.constant 3 : i32
        %add3A_145 = arith.addi %add3A_91, %add3A_144 : i32
        %mul3A_146 = arith.constant 80 : i32
        %mul3A_147 = arith.muli %add3A_145, %mul3A_146 : i32
        %add3A_148 = arith.addi %add3A, %mul3A_147 : i32
        %dma_start3A_149 = tpu.memref_slice %arg2[%add3A_148] : memref<320000xi32, #tpu.memory_space<hbm>> -> memref<80xi32, #tpu.memory_space<hbm>>
        %dma_start3A_150 = tpu.memref_slice %arg2[%add3A_148] : memref<320000xi32, #tpu.memory_space<hbm>> -> memref<80xi32, #tpu.memory_space<hbm>>
        tpu.enqueue_dma source(%dma_start3A_150 : memref<80xi32, #tpu.memory_space<hbm>>) target(%arg7 : memref<80xi32, #tpu.memory_space<vmem>>) target_semaphore(%arg12 : memref<!tpu.dma_semaphore, #tpu.memory_space<semaphore_mem>>)
      } else {
      }
      %mul3A_105 = arith.constant 5 : i32
      %mul3A_106 = arith.muli %scan3A_53, %mul3A_105 : i32
      %add3A_107 = arith.constant 3 : i32
      %add3A_108 = arith.addi %mul3A_106, %add3A_107 : i32
      %add3A_109 = arith.constant 0 : i32
      %add3A_110 = arith.addi %add3A, %add3A_109 : i32
      %dma_wait3A_111 = tpu.memref_slice %arg2[%add3A_110] : memref<320000xi32, #tpu.memory_space<hbm>> -> memref<80xi32, #tpu.memory_space<hbm>>
      %dma_wait3A_112 = tpu.memref_slice %arg2[%add3A_110] : memref<320000xi32, #tpu.memory_space<hbm>> -> memref<80xi32, #tpu.memory_space<hbm>>
      tpu.wait_dma2 semaphore(%arg15 : memref<!tpu.dma_semaphore, #tpu.memory_space<semaphore_mem>>) src(%dma_wait3A_112 : memref<80xi32, #tpu.memory_space<hbm>>) dst(%arg10 : memref<80xi32, #tpu.memory_space<vmem>>)
      %dma_start3A_113 = arith.constant 0 : i32
      %dma_start3A_114 = tpu.memref_slice %arg22[%dma_start3A_113] : memref<10240xf32, #tpu.memory_space<vmem_shared>> -> memref<10240xf32, #tpu.memory_space<vmem_shared>>
      tpu.enqueue_indirect_dma source(%arg6 : memref<80xf32, #tpu.memory_space<vmem>>) target(%dma_start3A_114 : memref<10240xf32, #tpu.memory_space<vmem_shared>>) offsets(%arg10 : memref<80xi32, #tpu.memory_space<vmem>>) semaphore(%arg20 : memref<!tpu.dma_semaphore, #tpu.memory_space<semaphore_mem>>) {add = true}
      %add3A_115 = arith.constant 3 : i32
      %add3A_116 = arith.addi %add3A_108, %add3A_115 : i32
      %lt3A_117 = arith.constant 125 : i32
      %lt3A_118 = arith.cmpi slt, %add3A_116, %lt3A_117 : i32
      %convert_element_type3A_119 = arith.extui %lt3A_118 : i1 to i32
      %cond3A_120 = arith.constant 0 : i32
      %cond3A_121 = arith.cmpi ne, %convert_element_type3A_119, %cond3A_120 : i32
      scf.if %cond3A_121 {
        %ge3A = arith.constant 2 : i32
        %ge3A_140 = arith.cmpi sge, %add3A_108, %ge3A : i32
        %convert_element_type3A_141 = arith.extui %ge3A_140 : i1 to i32
        %cond3A_142 = arith.constant 0 : i32
        %cond3A_143 = arith.cmpi ne, %convert_element_type3A_141, %cond3A_142 : i32
        scf.if %cond3A_143 {
          %dma_wait3A_151 = arith.constant 0 : i32
          %dma_wait3A_152 = tpu.memref_slice %arg22[%dma_wait3A_151] : memref<10240xf32, #tpu.memory_space<vmem_shared>> -> memref<10240xf32, #tpu.memory_space<vmem_shared>>
          tpu.wait_indirect_dma semaphore(%arg18 : memref<!tpu.dma_semaphore, #tpu.memory_space<semaphore_mem>>) src(%arg6 : memref<80xf32, #tpu.memory_space<vmem>>) dst(%dma_wait3A_152 : memref<10240xf32, #tpu.memory_space<vmem_shared>>)
        } else {
        }
        %add3A_144 = arith.constant 3 : i32
        %add3A_145 = arith.addi %add3A_108, %add3A_144 : i32
        %mul3A_146 = arith.constant 80 : i32
        %mul3A_147 = arith.muli %add3A_145, %mul3A_146 : i32
        %add3A_148 = arith.addi %add3A, %mul3A_147 : i32
        %dma_start3A_149 = tpu.memref_slice %arg2[%add3A_148] : memref<320000xi32, #tpu.memory_space<hbm>> -> memref<80xi32, #tpu.memory_space<hbm>>
        %dma_start3A_150 = tpu.memref_slice %arg2[%add3A_148] : memref<320000xi32, #tpu.memory_space<hbm>> -> memref<80xi32, #tpu.memory_space<hbm>>
        tpu.enqueue_dma source(%dma_start3A_150 : memref<80xi32, #tpu.memory_space<hbm>>) target(%arg8 : memref<80xi32, #tpu.memory_space<vmem>>) target_semaphore(%arg13 : memref<!tpu.dma_semaphore, #tpu.memory_space<semaphore_mem>>)
      } else {
      }
      %mul3A_122 = arith.constant 5 : i32
      %mul3A_123 = arith.muli %scan3A_53, %mul3A_122 : i32
      %add3A_124 = arith.constant 4 : i32
      %add3A_125 = arith.addi %mul3A_123, %add3A_124 : i32
      %add3A_126 = arith.constant 0 : i32
      %add3A_127 = arith.addi %add3A, %add3A_126 : i32
      %dma_wait3A_128 = tpu.memref_slice %arg2[%add3A_127] : memref<320000xi32, #tpu.memory_space<hbm>> -> memref<80xi32, #tpu.memory_space<hbm>>
      %dma_wait3A_129 = tpu.memref_slice %arg2[%add3A_127] : memref<320000xi32, #tpu.memory_space<hbm>> -> memref<80xi32, #tpu.memory_space<hbm>>
      tpu.wait_dma2 semaphore(%arg16 : memref<!tpu.dma_semaphore, #tpu.memory_space<semaphore_mem>>) src(%dma_wait3A_129 : memref<80xi32, #tpu.memory_space<hbm>>) dst(%arg11 : memref<80xi32, #tpu.memory_space<vmem>>)
      %dma_start3A_130 = arith.constant 0 : i32
      %dma_start3A_131 = tpu.memref_slice %arg22[%dma_start3A_130] : memref<10240xf32, #tpu.memory_space<vmem_shared>> -> memref<10240xf32, #tpu.memory_space<vmem_shared>>
      tpu.enqueue_indirect_dma source(%arg6 : memref<80xf32, #tpu.memory_space<vmem>>) target(%dma_start3A_131 : memref<10240xf32, #tpu.memory_space<vmem_shared>>) offsets(%arg11 : memref<80xi32, #tpu.memory_space<vmem>>) semaphore(%arg21 : memref<!tpu.dma_semaphore, #tpu.memory_space<semaphore_mem>>) {add = true}
      %add3A_132 = arith.constant 3 : i32
      %add3A_133 = arith.addi %add3A_125, %add3A_132 : i32
      %lt3A_134 = arith.constant 125 : i32
      %lt3A_135 = arith.cmpi slt, %add3A_133, %lt3A_134 : i32
      %convert_element_type3A_136 = arith.extui %lt3A_135 : i1 to i32
      %cond3A_137 = arith.constant 0 : i32
      %cond3A_138 = arith.cmpi ne, %convert_element_type3A_136, %cond3A_137 : i32
      scf.if %cond3A_138 {
        %ge3A = arith.constant 2 : i32
        %ge3A_140 = arith.cmpi sge, %add3A_125, %ge3A : i32
        %convert_element_type3A_141 = arith.extui %ge3A_140 : i1 to i32
        %cond3A_142 = arith.constant 0 : i32
        %cond3A_143 = arith.cmpi ne, %convert_element_type3A_141, %cond3A_142 : i32
        scf.if %cond3A_143 {
          %dma_wait3A_151 = arith.constant 0 : i32
          %dma_wait3A_152 = tpu.memref_slice %arg22[%dma_wait3A_151] : memref<10240xf32, #tpu.memory_space<vmem_shared>> -> memref<10240xf32, #tpu.memory_space<vmem_shared>>
          tpu.wait_indirect_dma semaphore(%arg19 : memref<!tpu.dma_semaphore, #tpu.memory_space<semaphore_mem>>) src(%arg6 : memref<80xf32, #tpu.memory_space<vmem>>) dst(%dma_wait3A_152 : memref<10240xf32, #tpu.memory_space<vmem_shared>>)
        } else {
        }
        %add3A_144 = arith.constant 3 : i32
        %add3A_145 = arith.addi %add3A_125, %add3A_144 : i32
        %mul3A_146 = arith.constant 80 : i32
        %mul3A_147 = arith.muli %add3A_145, %mul3A_146 : i32
        %add3A_148 = arith.addi %add3A, %mul3A_147 : i32
        %dma_start3A_149 = tpu.memref_slice %arg2[%add3A_148] : memref<320000xi32, #tpu.memory_space<hbm>> -> memref<80xi32, #tpu.memory_space<hbm>>
        %dma_start3A_150 = tpu.memref_slice %arg2[%add3A_148] : memref<320000xi32, #tpu.memory_space<hbm>> -> memref<80xi32, #tpu.memory_space<hbm>>
        tpu.enqueue_dma source(%dma_start3A_150 : memref<80xi32, #tpu.memory_space<hbm>>) target(%arg9 : memref<80xi32, #tpu.memory_space<vmem>>) target_semaphore(%arg14 : memref<!tpu.dma_semaphore, #tpu.memory_space<semaphore_mem>>)
      } else {
      }
      %scan3A_139 = arith.constant 0 : i32
      scf.yield %scan3A_139 : i32
    }
    %scan3A_35 = arith.constant 25 : i32
    %dma_wait3A = arith.constant 0 : i32
    %dma_wait3A_36 = tpu.memref_slice %arg22[%dma_wait3A] : memref<10240xf32, #tpu.memory_space<vmem_shared>> -> memref<10240xf32, #tpu.memory_space<vmem_shared>>
    tpu.wait_indirect_dma semaphore(%arg17 : memref<!tpu.dma_semaphore, #tpu.memory_space<semaphore_mem>>) src(%arg6 : memref<80xf32, #tpu.memory_space<vmem>>) dst(%dma_wait3A_36 : memref<10240xf32, #tpu.memory_space<vmem_shared>>)
    %dma_wait3A_37 = arith.constant 0 : i32
    %dma_wait3A_38 = tpu.memref_slice %arg22[%dma_wait3A_37] : memref<10240xf32, #tpu.memory_space<vmem_shared>> -> memref<10240xf32, #tpu.memory_space<vmem_shared>>
    tpu.wait_indirect_dma semaphore(%arg18 : memref<!tpu.dma_semaphore, #tpu.memory_space<semaphore_mem>>) src(%arg6 : memref<80xf32, #tpu.memory_space<vmem>>) dst(%dma_wait3A_38 : memref<10240xf32, #tpu.memory_space<vmem_shared>>)
    %dma_wait3A_39 = arith.constant 0 : i32
    %dma_wait3A_40 = tpu.memref_slice %arg22[%dma_wait3A_39] : memref<10240xf32, #tpu.memory_space<vmem_shared>> -> memref<10240xf32, #tpu.memory_space<vmem_shared>>
    tpu.wait_indirect_dma semaphore(%arg19 : memref<!tpu.dma_semaphore, #tpu.memory_space<semaphore_mem>>) src(%arg6 : memref<80xf32, #tpu.memory_space<vmem>>) dst(%dma_wait3A_40 : memref<10240xf32, #tpu.memory_space<vmem_shared>>)
    %dma_wait3A_41 = arith.constant 0 : i32
    %dma_wait3A_42 = tpu.memref_slice %arg22[%dma_wait3A_41] : memref<10240xf32, #tpu.memory_space<vmem_shared>> -> memref<10240xf32, #tpu.memory_space<vmem_shared>>
    tpu.wait_indirect_dma semaphore(%arg20 : memref<!tpu.dma_semaphore, #tpu.memory_space<semaphore_mem>>) src(%arg6 : memref<80xf32, #tpu.memory_space<vmem>>) dst(%dma_wait3A_42 : memref<10240xf32, #tpu.memory_space<vmem_shared>>)
    %dma_wait3A_43 = arith.constant 0 : i32
    %dma_wait3A_44 = tpu.memref_slice %arg22[%dma_wait3A_43] : memref<10240xf32, #tpu.memory_space<vmem_shared>> -> memref<10240xf32, #tpu.memory_space<vmem_shared>>
    tpu.wait_indirect_dma semaphore(%arg21 : memref<!tpu.dma_semaphore, #tpu.memory_space<semaphore_mem>>) src(%arg6 : memref<80xf32, #tpu.memory_space<vmem>>) dst(%dma_wait3A_44 : memref<10240xf32, #tpu.memory_space<vmem_shared>>)
    %barrier3A_45 = arith.constant 0 : index
    tpu.barrier barrier_id(%barrier3A_45)
    %eq3A = arith.constant 0 : i32
    %eq3A_46 = arith.cmpi eq, %arg0, %eq3A : i32
    %convert_element_type3A = arith.extui %eq3A_46 : i1 to i32
    %cond3A = arith.constant 0 : i32
    %cond3A_47 = arith.cmpi ne, %convert_element_type3A, %cond3A : i32
    scf.if %cond3A_47 {
      "tpu.region"() ({
        %run_scoped3A = tpu.sem_alloc : memref<!tpu.dma_semaphore, #tpu.memory_space<semaphore_mem>>
        %dma_start3A_53 = tpu.memref_slice %arg3[%mul3A_13] : memref<10240xf32, #tpu.memory_space<hbm>> -> memref<640xf32, #tpu.memory_space<hbm>>
        %dma_start3A_54 = tpu.memref_slice %arg22[%mul3A_13] : memref<10240xf32, #tpu.memory_space<vmem_shared>> -> memref<640xf32, #tpu.memory_space<vmem_shared>>
        tpu.enqueue_dma source(%dma_start3A_54 : memref<640xf32, #tpu.memory_space<vmem_shared>>) target(%dma_start3A_53 : memref<640xf32, #tpu.memory_space<hbm>>) target_semaphore(%run_scoped3A : memref<!tpu.dma_semaphore, #tpu.memory_space<semaphore_mem>>)
        %dma_wait3A_55 = tpu.memref_slice %arg3[%mul3A_13] : memref<10240xf32, #tpu.memory_space<hbm>> -> memref<640xf32, #tpu.memory_space<hbm>>
        %dma_wait3A_56 = tpu.memref_slice %arg22[%mul3A_13] : memref<10240xf32, #tpu.memory_space<vmem_shared>> -> memref<640xf32, #tpu.memory_space<vmem_shared>>
        tpu.wait_dma2 semaphore(%run_scoped3A : memref<!tpu.dma_semaphore, #tpu.memory_space<semaphore_mem>>) src(%dma_wait3A_56 : memref<640xf32, #tpu.memory_space<vmem_shared>>) dst(%dma_wait3A_55 : memref<640xf32, #tpu.memory_space<hbm>>)
        tpu.yield
      }) : () -> ()
    } else {
    }
    %eq3A_48 = arith.constant 1 : i32
    %eq3A_49 = arith.cmpi eq, %arg0, %eq3A_48 : i32
    %convert_element_type3A_50 = arith.extui %eq3A_49 : i1 to i32
    %cond3A_51 = arith.constant 0 : i32
    %cond3A_52 = arith.cmpi ne, %convert_element_type3A_50, %cond3A_51 : i32
    scf.if %cond3A_52 {
      "tpu.region"() ({
        %run_scoped3A = tpu.sem_alloc : memref<!tpu.dma_semaphore, #tpu.memory_space<semaphore_mem>>
        %dma_start3A_53 = tpu.memref_slice %arg4[%mul3A_13] : memref<10240xf32, #tpu.memory_space<hbm>> -> memref<640xf32, #tpu.memory_space<hbm>>
        %dma_start3A_54 = tpu.memref_slice %arg22[%mul3A_13] : memref<10240xf32, #tpu.memory_space<vmem_shared>> -> memref<640xf32, #tpu.memory_space<vmem_shared>>
        tpu.enqueue_dma source(%dma_start3A_54 : memref<640xf32, #tpu.memory_space<vmem_shared>>) target(%dma_start3A_53 : memref<640xf32, #tpu.memory_space<hbm>>) target_semaphore(%run_scoped3A : memref<!tpu.dma_semaphore, #tpu.memory_space<semaphore_mem>>)
        %dma_wait3A_55 = tpu.memref_slice %arg4[%mul3A_13] : memref<10240xf32, #tpu.memory_space<hbm>> -> memref<640xf32, #tpu.memory_space<hbm>>
        %dma_wait3A_56 = tpu.memref_slice %arg22[%mul3A_13] : memref<10240xf32, #tpu.memory_space<vmem_shared>> -> memref<640xf32, #tpu.memory_space<vmem_shared>>
        tpu.wait_dma2 semaphore(%run_scoped3A : memref<!tpu.dma_semaphore, #tpu.memory_space<semaphore_mem>>) src(%dma_wait3A_56 : memref<640xf32, #tpu.memory_space<vmem_shared>>) dst(%dma_wait3A_55 : memref<640xf32, #tpu.memory_space<hbm>>)
        tpu.yield
      }) : () -> ()
    } else {
    }
    return
  }
}

#map = affine_map<(d0, d1) -> (0, 0)>
#map1 = affine_map<(d0, d1) -> (0)>
module attributes {stable_mosaic.version = 14 : i64} {
  func.func @k(%arg0: i32, %arg1: i32, %arg2: memref<10000x128xf32, #tpu.memory_space<hbm>>, %arg3: memref<320000xi32, #tpu.memory_space<hbm>>, %arg4: memref<320000xi32, #tpu.memory_space<hbm>>, %arg5: memref<10240x128xf32, #tpu.memory_space<hbm>>, %arg6: memref<10240x128xf32, #tpu.memory_space<hbm>>, %arg7: memref<80xi32, #tpu.memory_space<vmem>>, %arg8: memref<80xi32, #tpu.memory_space<vmem>>, %arg9: memref<80xi32, #tpu.memory_space<vmem>>, %arg10: memref<80xi32, #tpu.memory_space<vmem>>, %arg11: memref<80xi32, #tpu.memory_space<vmem>>, %arg12: memref<80xi32, #tpu.memory_space<vmem>>, %arg13: memref<80xi32, #tpu.memory_space<vmem>>, %arg14: memref<80xi32, #tpu.memory_space<vmem>>, %arg15: memref<80x128xf32, #tpu.memory_space<vmem>>, %arg16: memref<80x128xf32, #tpu.memory_space<vmem>>, %arg17: memref<80x128xf32, #tpu.memory_space<vmem>>, %arg18: memref<80x128xf32, #tpu.memory_space<vmem>>, %arg19: memref<!tpu.dma_semaphore, #tpu.memory_space<semaphore_mem>>, %arg20: memref<!tpu.dma_semaphore, #tpu.memory_space<semaphore_mem>>, %arg21: memref<!tpu.dma_semaphore, #tpu.memory_space<semaphore_mem>>, %arg22: memref<!tpu.dma_semaphore, #tpu.memory_space<semaphore_mem>>, %arg23: memref<!tpu.dma_semaphore, #tpu.memory_space<semaphore_mem>>, %arg24: memref<!tpu.dma_semaphore, #tpu.memory_space<semaphore_mem>>, %arg25: memref<!tpu.dma_semaphore, #tpu.memory_space<semaphore_mem>>, %arg26: memref<!tpu.dma_semaphore, #tpu.memory_space<semaphore_mem>>, %arg27: memref<10240x128xf32, #tpu.memory_space<vmem_shared>>) attributes {dimension_semantics = [#tpu.dimension_semantics<core_parallel>, #tpu.dimension_semantics<subcore_parallel>], iteration_bounds = array<i64: 2, 16>, scalar_prefetch = 0 : i64, scratch_operands = 21 : i64, tpu.core_type = #tpu.core_type<sc_vector_subcore>, window_params = [{transform_indices = #map}, {transform_indices = #map1}, {transform_indices = #map1}, {transform_indices = #map}, {transform_indices = #map}]} {
    %scan3A = arith.constant 0 : i32
    %scan3A_0 = arith.constant 0 : i32
    %scan3A_1 = arith.constant 640 : i32
    %scan3A_2 = arith.addi %scan3A_0, %scan3A_1 : i32
    %scan3A_3 = arith.constant 1 : i32
    %scan3A_4 = scf.for %scan3A_88 = %scan3A_0 to %scan3A_2 step %scan3A_3 iter_args(%scan3A_89 = %scan3A) -> (i32)  : i32 {
      %broadcast_in_dim3A = arith.constant 0.000000e+00 : f32
      %broadcast_in_dim3A_90 = vector.broadcast %broadcast_in_dim3A : f32 to vector<16xf32>
      %jit3A = arith.constant 8 : i32
      %div3A = arith.divsi %scan3A_88, %jit3A : i32
      %sign3A = arith.constant 0 : i32
      %sign3A_91 = arith.cmpi sgt, %scan3A_88, %sign3A : i32
      %sign3A_92 = arith.extui %sign3A_91 : i1 to i32
      %sign3A_93 = arith.constant 0 : i32
      %sign3A_94 = arith.cmpi slt, %scan3A_88, %sign3A_93 : i32
      %sign3A_95 = arith.extui %sign3A_94 : i1 to i32
      %sign3A_96 = arith.subi %sign3A_92, %sign3A_95 : i32
      %sign3A_97 = arith.constant 0 : i32
      %sign3A_98 = arith.cmpi sgt, %jit3A, %sign3A_97 : i32
      %sign3A_99 = arith.extui %sign3A_98 : i1 to i32
      %sign3A_100 = arith.constant 0 : i32
      %sign3A_101 = arith.cmpi slt, %jit3A, %sign3A_100 : i32
      %sign3A_102 = arith.extui %sign3A_101 : i1 to i32
      %sign3A_103 = arith.subi %sign3A_99, %sign3A_102 : i32
      %ne3A = arith.cmpi ne, %sign3A_96, %sign3A_103 : i32
      %rem3A = arith.remsi %scan3A_88, %jit3A : i32
      %ne3A_104 = arith.constant 0 : i32
      %ne3A_105 = arith.cmpi ne, %rem3A, %ne3A_104 : i32
      %and3A = arith.andi %ne3A, %ne3A_105 : i1
      %sub3A = arith.constant 1 : i32
      %sub3A_106 = arith.subi %div3A, %sub3A : i32
      %select_n3A = arith.select %and3A, %sub3A_106, %div3A : i32
      %jit3A_107 = arith.constant 8 : i32
      %eq3A_108 = arith.constant 0 : i32
      %eq3A_109 = arith.cmpi eq, %jit3A_107, %eq3A_108 : i32
      %jit3A_110 = arith.constant 1 : i32
      %select_n3A_111 = arith.select %eq3A_109, %jit3A_110, %jit3A_107 : i32
      %rem3A_112 = arith.remsi %scan3A_88, %select_n3A_111 : i32
      %ne3A_113 = arith.constant 0 : i32
      %ne3A_114 = arith.cmpi ne, %rem3A_112, %ne3A_113 : i32
      %lt3A = arith.constant 0 : i32
      %lt3A_115 = arith.cmpi slt, %rem3A_112, %lt3A : i32
      %lt3A_116 = arith.constant 0 : i32
      %lt3A_117 = arith.cmpi slt, %select_n3A_111, %lt3A_116 : i32
      %ne3A_118 = arith.xori %lt3A_115, %lt3A_117 : i1
      %and3A_119 = arith.andi %ne3A_118, %ne3A_114 : i1
      %add3A_120 = arith.addi %rem3A_112, %select_n3A_111 : i32
      %select_n3A_121 = arith.select %and3A_119, %add3A_120, %rem3A_112 : i32
      %mul3A_122 = arith.constant 16 : i32
      %mul3A_123 = arith.muli %select_n3A_121, %mul3A_122 : i32
      %swap3A = arith.index_cast %select_n3A : i32 to index
      %swap3A_124 = arith.index_cast %mul3A_123 : i32 to index
      %swap3A_125 = tpu.vector_load %arg15[%swap3A, %swap3A_124] {strides = array<i32>} : memref<80x128xf32, #tpu.memory_space<vmem>>, vector<1x16xf32>,
      %swap3A_126 = vector.shape_cast %swap3A_125 : vector<1x16xf32> to vector<16xf32>
      %swap3A_127 = vector.shape_cast %broadcast_in_dim3A_90 : vector<16xf32> to vector<1x16xf32>
      tpu.vector_store %arg15[%swap3A, %swap3A_124], %swap3A_127 {strides = array<i32>} : memref<80x128xf32, #tpu.memory_space<vmem>>, vector<1x16xf32>,
      %scan3A_128 = arith.constant 0 : i32
      scf.yield %scan3A_128 : i32
    }
    %scan3A_5 = arith.constant 640 : i32
    %mul3A = arith.constant 640 : i32
    %mul3A_6 = arith.muli %arg1, %mul3A : i32
    %add3A = arith.constant 0 : i32
    %add3A_7 = arith.addi %mul3A_6, %add3A : i32
    "tpu.region"() ({
      %run_scoped3A = tpu.sem_alloc : memref<!tpu.dma_semaphore, #tpu.memory_space<semaphore_mem>>
      %dma_start3A_88 = arith.constant 0 : i32
      %dma_start3A_89 = tpu.memref_slice %arg27[%add3A_7, %dma_start3A_88] : memref<10240x128xf32, #tpu.memory_space<vmem_shared>> -> memref<80x128xf32, #tpu.memory_space<vmem_shared>>
      %dma_start3A_90 = arith.constant 0 : i32
      %dma_start3A_91 = tpu.memref_slice %arg27[%add3A_7, %dma_start3A_90] : memref<10240x128xf32, #tpu.memory_space<vmem_shared>> -> memref<80x128xf32, #tpu.memory_space<vmem_shared>>
      tpu.enqueue_dma source(%arg15 : memref<80x128xf32, #tpu.memory_space<vmem>>) target(%dma_start3A_91 : memref<80x128xf32, #tpu.memory_space<vmem_shared>>) target_semaphore(%run_scoped3A : memref<!tpu.dma_semaphore, #tpu.memory_space<semaphore_mem>>)
      %dma_wait3A_92 = arith.constant 0 : i32
      %dma_wait3A_93 = tpu.memref_slice %arg27[%add3A_7, %dma_wait3A_92] : memref<10240x128xf32, #tpu.memory_space<vmem_shared>> -> memref<80x128xf32, #tpu.memory_space<vmem_shared>>
      %dma_wait3A_94 = arith.constant 0 : i32
      %dma_wait3A_95 = tpu.memref_slice %arg27[%add3A_7, %dma_wait3A_94] : memref<10240x128xf32, #tpu.memory_space<vmem_shared>> -> memref<80x128xf32, #tpu.memory_space<vmem_shared>>
      tpu.wait_dma2 semaphore(%run_scoped3A : memref<!tpu.dma_semaphore, #tpu.memory_space<semaphore_mem>>) src(%arg15 : memref<80x128xf32, #tpu.memory_space<vmem>>) dst(%dma_wait3A_95 : memref<80x128xf32, #tpu.memory_space<vmem_shared>>)
      tpu.yield
    }) : () -> ()
    %add3A_8 = arith.constant 80 : i32
    %add3A_9 = arith.addi %mul3A_6, %add3A_8 : i32
    "tpu.region"() ({
      %run_scoped3A = tpu.sem_alloc : memref<!tpu.dma_semaphore, #tpu.memory_space<semaphore_mem>>
      %dma_start3A_88 = arith.constant 0 : i32
      %dma_start3A_89 = tpu.memref_slice %arg27[%add3A_9, %dma_start3A_88] : memref<10240x128xf32, #tpu.memory_space<vmem_shared>> -> memref<80x128xf32, #tpu.memory_space<vmem_shared>>
      %dma_start3A_90 = arith.constant 0 : i32
      %dma_start3A_91 = tpu.memref_slice %arg27[%add3A_9, %dma_start3A_90] : memref<10240x128xf32, #tpu.memory_space<vmem_shared>> -> memref<80x128xf32, #tpu.memory_space<vmem_shared>>
      tpu.enqueue_dma source(%arg15 : memref<80x128xf32, #tpu.memory_space<vmem>>) target(%dma_start3A_91 : memref<80x128xf32, #tpu.memory_space<vmem_shared>>) target_semaphore(%run_scoped3A : memref<!tpu.dma_semaphore, #tpu.memory_space<semaphore_mem>>)
      %dma_wait3A_92 = arith.constant 0 : i32
      %dma_wait3A_93 = tpu.memref_slice %arg27[%add3A_9, %dma_wait3A_92] : memref<10240x128xf32, #tpu.memory_space<vmem_shared>> -> memref<80x128xf32, #tpu.memory_space<vmem_shared>>
      %dma_wait3A_94 = arith.constant 0 : i32
      %dma_wait3A_95 = tpu.memref_slice %arg27[%add3A_9, %dma_wait3A_94] : memref<10240x128xf32, #tpu.memory_space<vmem_shared>> -> memref<80x128xf32, #tpu.memory_space<vmem_shared>>
      tpu.wait_dma2 semaphore(%run_scoped3A : memref<!tpu.dma_semaphore, #tpu.memory_space<semaphore_mem>>) src(%arg15 : memref<80x128xf32, #tpu.memory_space<vmem>>) dst(%dma_wait3A_95 : memref<80x128xf32, #tpu.memory_space<vmem_shared>>)
      tpu.yield
    }) : () -> ()
    %add3A_10 = arith.constant 160 : i32
    %add3A_11 = arith.addi %mul3A_6, %add3A_10 : i32
    "tpu.region"() ({
      %run_scoped3A = tpu.sem_alloc : memref<!tpu.dma_semaphore, #tpu.memory_space<semaphore_mem>>
      %dma_start3A_88 = arith.constant 0 : i32
      %dma_start3A_89 = tpu.memref_slice %arg27[%add3A_11, %dma_start3A_88] : memref<10240x128xf32, #tpu.memory_space<vmem_shared>> -> memref<80x128xf32, #tpu.memory_space<vmem_shared>>
      %dma_start3A_90 = arith.constant 0 : i32
      %dma_start3A_91 = tpu.memref_slice %arg27[%add3A_11, %dma_start3A_90] : memref<10240x128xf32, #tpu.memory_space<vmem_shared>> -> memref<80x128xf32, #tpu.memory_space<vmem_shared>>
      tpu.enqueue_dma source(%arg15 : memref<80x128xf32, #tpu.memory_space<vmem>>) target(%dma_start3A_91 : memref<80x128xf32, #tpu.memory_space<vmem_shared>>) target_semaphore(%run_scoped3A : memref<!tpu.dma_semaphore, #tpu.memory_space<semaphore_mem>>)
      %dma_wait3A_92 = arith.constant 0 : i32
      %dma_wait3A_93 = tpu.memref_slice %arg27[%add3A_11, %dma_wait3A_92] : memref<10240x128xf32, #tpu.memory_space<vmem_shared>> -> memref<80x128xf32, #tpu.memory_space<vmem_shared>>
      %dma_wait3A_94 = arith.constant 0 : i32
      %dma_wait3A_95 = tpu.memref_slice %arg27[%add3A_11, %dma_wait3A_94] : memref<10240x128xf32, #tpu.memory_space<vmem_shared>> -> memref<80x128xf32, #tpu.memory_space<vmem_shared>>
      tpu.wait_dma2 semaphore(%run_scoped3A : memref<!tpu.dma_semaphore, #tpu.memory_space<semaphore_mem>>) src(%arg15 : memref<80x128xf32, #tpu.memory_space<vmem>>) dst(%dma_wait3A_95 : memref<80x128xf32, #tpu.memory_space<vmem_shared>>)
      tpu.yield
    }) : () -> ()
    %add3A_12 = arith.constant 240 : i32
    %add3A_13 = arith.addi %mul3A_6, %add3A_12 : i32
    "tpu.region"() ({
      %run_scoped3A = tpu.sem_alloc : memref<!tpu.dma_semaphore, #tpu.memory_space<semaphore_mem>>
      %dma_start3A_88 = arith.constant 0 : i32
      %dma_start3A_89 = tpu.memref_slice %arg27[%add3A_13, %dma_start3A_88] : memref<10240x128xf32, #tpu.memory_space<vmem_shared>> -> memref<80x128xf32, #tpu.memory_space<vmem_shared>>
      %dma_start3A_90 = arith.constant 0 : i32
      %dma_start3A_91 = tpu.memref_slice %arg27[%add3A_13, %dma_start3A_90] : memref<10240x128xf32, #tpu.memory_space<vmem_shared>> -> memref<80x128xf32, #tpu.memory_space<vmem_shared>>
      tpu.enqueue_dma source(%arg15 : memref<80x128xf32, #tpu.memory_space<vmem>>) target(%dma_start3A_91 : memref<80x128xf32, #tpu.memory_space<vmem_shared>>) target_semaphore(%run_scoped3A : memref<!tpu.dma_semaphore, #tpu.memory_space<semaphore_mem>>)
      %dma_wait3A_92 = arith.constant 0 : i32
      %dma_wait3A_93 = tpu.memref_slice %arg27[%add3A_13, %dma_wait3A_92] : memref<10240x128xf32, #tpu.memory_space<vmem_shared>> -> memref<80x128xf32, #tpu.memory_space<vmem_shared>>
      %dma_wait3A_94 = arith.constant 0 : i32
      %dma_wait3A_95 = tpu.memref_slice %arg27[%add3A_13, %dma_wait3A_94] : memref<10240x128xf32, #tpu.memory_space<vmem_shared>> -> memref<80x128xf32, #tpu.memory_space<vmem_shared>>
      tpu.wait_dma2 semaphore(%run_scoped3A : memref<!tpu.dma_semaphore, #tpu.memory_space<semaphore_mem>>) src(%arg15 : memref<80x128xf32, #tpu.memory_space<vmem>>) dst(%dma_wait3A_95 : memref<80x128xf32, #tpu.memory_space<vmem_shared>>)
      tpu.yield
    }) : () -> ()
    %add3A_14 = arith.constant 320 : i32
    %add3A_15 = arith.addi %mul3A_6, %add3A_14 : i32
    "tpu.region"() ({
      %run_scoped3A = tpu.sem_alloc : memref<!tpu.dma_semaphore, #tpu.memory_space<semaphore_mem>>
      %dma_start3A_88 = arith.constant 0 : i32
      %dma_start3A_89 = tpu.memref_slice %arg27[%add3A_15, %dma_start3A_88] : memref<10240x128xf32, #tpu.memory_space<vmem_shared>> -> memref<80x128xf32, #tpu.memory_space<vmem_shared>>
      %dma_start3A_90 = arith.constant 0 : i32
      %dma_start3A_91 = tpu.memref_slice %arg27[%add3A_15, %dma_start3A_90] : memref<10240x128xf32, #tpu.memory_space<vmem_shared>> -> memref<80x128xf32, #tpu.memory_space<vmem_shared>>
      tpu.enqueue_dma source(%arg15 : memref<80x128xf32, #tpu.memory_space<vmem>>) target(%dma_start3A_91 : memref<80x128xf32, #tpu.memory_space<vmem_shared>>) target_semaphore(%run_scoped3A : memref<!tpu.dma_semaphore, #tpu.memory_space<semaphore_mem>>)
      %dma_wait3A_92 = arith.constant 0 : i32
      %dma_wait3A_93 = tpu.memref_slice %arg27[%add3A_15, %dma_wait3A_92] : memref<10240x128xf32, #tpu.memory_space<vmem_shared>> -> memref<80x128xf32, #tpu.memory_space<vmem_shared>>
      %dma_wait3A_94 = arith.constant 0 : i32
      %dma_wait3A_95 = tpu.memref_slice %arg27[%add3A_15, %dma_wait3A_94] : memref<10240x128xf32, #tpu.memory_space<vmem_shared>> -> memref<80x128xf32, #tpu.memory_space<vmem_shared>>
      tpu.wait_dma2 semaphore(%run_scoped3A : memref<!tpu.dma_semaphore, #tpu.memory_space<semaphore_mem>>) src(%arg15 : memref<80x128xf32, #tpu.memory_space<vmem>>) dst(%dma_wait3A_95 : memref<80x128xf32, #tpu.memory_space<vmem_shared>>)
      tpu.yield
    }) : () -> ()
    %add3A_16 = arith.constant 400 : i32
    %add3A_17 = arith.addi %mul3A_6, %add3A_16 : i32
    "tpu.region"() ({
      %run_scoped3A = tpu.sem_alloc : memref<!tpu.dma_semaphore, #tpu.memory_space<semaphore_mem>>
      %dma_start3A_88 = arith.constant 0 : i32
      %dma_start3A_89 = tpu.memref_slice %arg27[%add3A_17, %dma_start3A_88] : memref<10240x128xf32, #tpu.memory_space<vmem_shared>> -> memref<80x128xf32, #tpu.memory_space<vmem_shared>>
      %dma_start3A_90 = arith.constant 0 : i32
      %dma_start3A_91 = tpu.memref_slice %arg27[%add3A_17, %dma_start3A_90] : memref<10240x128xf32, #tpu.memory_space<vmem_shared>> -> memref<80x128xf32, #tpu.memory_space<vmem_shared>>
      tpu.enqueue_dma source(%arg15 : memref<80x128xf32, #tpu.memory_space<vmem>>) target(%dma_start3A_91 : memref<80x128xf32, #tpu.memory_space<vmem_shared>>) target_semaphore(%run_scoped3A : memref<!tpu.dma_semaphore, #tpu.memory_space<semaphore_mem>>)
      %dma_wait3A_92 = arith.constant 0 : i32
      %dma_wait3A_93 = tpu.memref_slice %arg27[%add3A_17, %dma_wait3A_92] : memref<10240x128xf32, #tpu.memory_space<vmem_shared>> -> memref<80x128xf32, #tpu.memory_space<vmem_shared>>
      %dma_wait3A_94 = arith.constant 0 : i32
      %dma_wait3A_95 = tpu.memref_slice %arg27[%add3A_17, %dma_wait3A_94] : memref<10240x128xf32, #tpu.memory_space<vmem_shared>> -> memref<80x128xf32, #tpu.memory_space<vmem_shared>>
      tpu.wait_dma2 semaphore(%run_scoped3A : memref<!tpu.dma_semaphore, #tpu.memory_space<semaphore_mem>>) src(%arg15 : memref<80x128xf32, #tpu.memory_space<vmem>>) dst(%dma_wait3A_95 : memref<80x128xf32, #tpu.memory_space<vmem_shared>>)
      tpu.yield
    }) : () -> ()
    %add3A_18 = arith.constant 480 : i32
    %add3A_19 = arith.addi %mul3A_6, %add3A_18 : i32
    "tpu.region"() ({
      %run_scoped3A = tpu.sem_alloc : memref<!tpu.dma_semaphore, #tpu.memory_space<semaphore_mem>>
      %dma_start3A_88 = arith.constant 0 : i32
      %dma_start3A_89 = tpu.memref_slice %arg27[%add3A_19, %dma_start3A_88] : memref<10240x128xf32, #tpu.memory_space<vmem_shared>> -> memref<80x128xf32, #tpu.memory_space<vmem_shared>>
      %dma_start3A_90 = arith.constant 0 : i32
      %dma_start3A_91 = tpu.memref_slice %arg27[%add3A_19, %dma_start3A_90] : memref<10240x128xf32, #tpu.memory_space<vmem_shared>> -> memref<80x128xf32, #tpu.memory_space<vmem_shared>>
      tpu.enqueue_dma source(%arg15 : memref<80x128xf32, #tpu.memory_space<vmem>>) target(%dma_start3A_91 : memref<80x128xf32, #tpu.memory_space<vmem_shared>>) target_semaphore(%run_scoped3A : memref<!tpu.dma_semaphore, #tpu.memory_space<semaphore_mem>>)
      %dma_wait3A_92 = arith.constant 0 : i32
      %dma_wait3A_93 = tpu.memref_slice %arg27[%add3A_19, %dma_wait3A_92] : memref<10240x128xf32, #tpu.memory_space<vmem_shared>> -> memref<80x128xf32, #tpu.memory_space<vmem_shared>>
      %dma_wait3A_94 = arith.constant 0 : i32
      %dma_wait3A_95 = tpu.memref_slice %arg27[%add3A_19, %dma_wait3A_94] : memref<10240x128xf32, #tpu.memory_space<vmem_shared>> -> memref<80x128xf32, #tpu.memory_space<vmem_shared>>
      tpu.wait_dma2 semaphore(%run_scoped3A : memref<!tpu.dma_semaphore, #tpu.memory_space<semaphore_mem>>) src(%arg15 : memref<80x128xf32, #tpu.memory_space<vmem>>) dst(%dma_wait3A_95 : memref<80x128xf32, #tpu.memory_space<vmem_shared>>)
      tpu.yield
    }) : () -> ()
    %add3A_20 = arith.constant 560 : i32
    %add3A_21 = arith.addi %mul3A_6, %add3A_20 : i32
    "tpu.region"() ({
      %run_scoped3A = tpu.sem_alloc : memref<!tpu.dma_semaphore, #tpu.memory_space<semaphore_mem>>
      %dma_start3A_88 = arith.constant 0 : i32
      %dma_start3A_89 = tpu.memref_slice %arg27[%add3A_21, %dma_start3A_88] : memref<10240x128xf32, #tpu.memory_space<vmem_shared>> -> memref<80x128xf32, #tpu.memory_space<vmem_shared>>
      %dma_start3A_90 = arith.constant 0 : i32
      %dma_start3A_91 = tpu.memref_slice %arg27[%add3A_21, %dma_start3A_90] : memref<10240x128xf32, #tpu.memory_space<vmem_shared>> -> memref<80x128xf32, #tpu.memory_space<vmem_shared>>
      tpu.enqueue_dma source(%arg15 : memref<80x128xf32, #tpu.memory_space<vmem>>) target(%dma_start3A_91 : memref<80x128xf32, #tpu.memory_space<vmem_shared>>) target_semaphore(%run_scoped3A : memref<!tpu.dma_semaphore, #tpu.memory_space<semaphore_mem>>)
      %dma_wait3A_92 = arith.constant 0 : i32
      %dma_wait3A_93 = tpu.memref_slice %arg27[%add3A_21, %dma_wait3A_92] : memref<10240x128xf32, #tpu.memory_space<vmem_shared>> -> memref<80x128xf32, #tpu.memory_space<vmem_shared>>
      %dma_wait3A_94 = arith.constant 0 : i32
      %dma_wait3A_95 = tpu.memref_slice %arg27[%add3A_21, %dma_wait3A_94] : memref<10240x128xf32, #tpu.memory_space<vmem_shared>> -> memref<80x128xf32, #tpu.memory_space<vmem_shared>>
      tpu.wait_dma2 semaphore(%run_scoped3A : memref<!tpu.dma_semaphore, #tpu.memory_space<semaphore_mem>>) src(%arg15 : memref<80x128xf32, #tpu.memory_space<vmem>>) dst(%dma_wait3A_95 : memref<80x128xf32, #tpu.memory_space<vmem_shared>>)
      tpu.yield
    }) : () -> ()
    %barrier3A = arith.constant 0 : index
    tpu.barrier barrier_id(%barrier3A)
    %mul3A_22 = arith.constant 160000 : i32
    %mul3A_23 = arith.muli %arg0, %mul3A_22 : i32
    %mul3A_24 = arith.constant 10000 : i32
    %mul3A_25 = arith.muli %arg1, %mul3A_24 : i32
    %add3A_26 = arith.addi %mul3A_23, %mul3A_25 : i32
    %add3A_27 = arith.constant 0 : i32
    %add3A_28 = arith.addi %add3A_26, %add3A_27 : i32
    %dma_start3A = tpu.memref_slice %arg3[%add3A_28] : memref<320000xi32, #tpu.memory_space<hbm>> -> memref<80xi32, #tpu.memory_space<hbm>>
    %dma_start3A_29 = tpu.memref_slice %arg3[%add3A_28] : memref<320000xi32, #tpu.memory_space<hbm>> -> memref<80xi32, #tpu.memory_space<hbm>>
    tpu.enqueue_dma source(%dma_start3A_29 : memref<80xi32, #tpu.memory_space<hbm>>) target(%arg7 : memref<80xi32, #tpu.memory_space<vmem>>) target_semaphore(%arg23 : memref<!tpu.dma_semaphore, #tpu.memory_space<semaphore_mem>>)
    %dma_wait3A = tpu.memref_slice %arg3[%add3A_28] : memref<320000xi32, #tpu.memory_space<hbm>> -> memref<80xi32, #tpu.memory_space<hbm>>
    %dma_wait3A_30 = tpu.memref_slice %arg3[%add3A_28] : memref<320000xi32, #tpu.memory_space<hbm>> -> memref<80xi32, #tpu.memory_space<hbm>>
    tpu.wait_dma2 semaphore(%arg23 : memref<!tpu.dma_semaphore, #tpu.memory_space<semaphore_mem>>) src(%dma_wait3A_30 : memref<80xi32, #tpu.memory_space<hbm>>) dst(%arg7 : memref<80xi32, #tpu.memory_space<vmem>>)
    %dma_start3A_31 = tpu.memref_slice %arg4[%add3A_28] : memref<320000xi32, #tpu.memory_space<hbm>> -> memref<80xi32, #tpu.memory_space<hbm>>
    %dma_start3A_32 = tpu.memref_slice %arg4[%add3A_28] : memref<320000xi32, #tpu.memory_space<hbm>> -> memref<80xi32, #tpu.memory_space<hbm>>
    tpu.enqueue_dma source(%dma_start3A_32 : memref<80xi32, #tpu.memory_space<hbm>>) target(%arg11 : memref<80xi32, #tpu.memory_space<vmem>>) target_semaphore(%arg23 : memref<!tpu.dma_semaphore, #tpu.memory_space<semaphore_mem>>)
    %dma_wait3A_33 = tpu.memref_slice %arg4[%add3A_28] : memref<320000xi32, #tpu.memory_space<hbm>> -> memref<80xi32, #tpu.memory_space<hbm>>
    %dma_wait3A_34 = tpu.memref_slice %arg4[%add3A_28] : memref<320000xi32, #tpu.memory_space<hbm>> -> memref<80xi32, #tpu.memory_space<hbm>>
    tpu.wait_dma2 semaphore(%arg23 : memref<!tpu.dma_semaphore, #tpu.memory_space<semaphore_mem>>) src(%dma_wait3A_34 : memref<80xi32, #tpu.memory_space<hbm>>) dst(%arg11 : memref<80xi32, #tpu.memory_space<vmem>>)
    %add3A_35 = arith.constant 80 : i32
    %add3A_36 = arith.addi %add3A_26, %add3A_35 : i32
    %dma_start3A_37 = tpu.memref_slice %arg3[%add3A_36] : memref<320000xi32, #tpu.memory_space<hbm>> -> memref<80xi32, #tpu.memory_space<hbm>>
    %dma_start3A_38 = tpu.memref_slice %arg3[%add3A_36] : memref<320000xi32, #tpu.memory_space<hbm>> -> memref<80xi32, #tpu.memory_space<hbm>>
    tpu.enqueue_dma source(%dma_start3A_38 : memref<80xi32, #tpu.memory_space<hbm>>) target(%arg8 : memref<80xi32, #tpu.memory_space<vmem>>) target_semaphore(%arg24 : memref<!tpu.dma_semaphore, #tpu.memory_space<semaphore_mem>>)
    %dma_wait3A_39 = tpu.memref_slice %arg3[%add3A_36] : memref<320000xi32, #tpu.memory_space<hbm>> -> memref<80xi32, #tpu.memory_space<hbm>>
    %dma_wait3A_40 = tpu.memref_slice %arg3[%add3A_36] : memref<320000xi32, #tpu.memory_space<hbm>> -> memref<80xi32, #tpu.memory_space<hbm>>
    tpu.wait_dma2 semaphore(%arg24 : memref<!tpu.dma_semaphore, #tpu.memory_space<semaphore_mem>>) src(%dma_wait3A_40 : memref<80xi32, #tpu.memory_space<hbm>>) dst(%arg8 : memref<80xi32, #tpu.memory_space<vmem>>)
    %dma_start3A_41 = tpu.memref_slice %arg4[%add3A_36] : memref<320000xi32, #tpu.memory_space<hbm>> -> memref<80xi32, #tpu.memory_space<hbm>>
    %dma_start3A_42 = tpu.memref_slice %arg4[%add3A_36] : memref<320000xi32, #tpu.memory_space<hbm>> -> memref<80xi32, #tpu.memory_space<hbm>>
    tpu.enqueue_dma source(%dma_start3A_42 : memref<80xi32, #tpu.memory_space<hbm>>) target(%arg12 : memref<80xi32, #tpu.memory_space<vmem>>) target_semaphore(%arg24 : memref<!tpu.dma_semaphore, #tpu.memory_space<semaphore_mem>>)
    %dma_wait3A_43 = tpu.memref_slice %arg4[%add3A_36] : memref<320000xi32, #tpu.memory_space<hbm>> -> memref<80xi32, #tpu.memory_space<hbm>>
    %dma_wait3A_44 = tpu.memref_slice %arg4[%add3A_36] : memref<320000xi32, #tpu.memory_space<hbm>> -> memref<80xi32, #tpu.memory_space<hbm>>
    tpu.wait_dma2 semaphore(%arg24 : memref<!tpu.dma_semaphore, #tpu.memory_space<semaphore_mem>>) src(%dma_wait3A_44 : memref<80xi32, #tpu.memory_space<hbm>>) dst(%arg12 : memref<80xi32, #tpu.memory_space<vmem>>)
    %add3A_45 = arith.constant 160 : i32
    %add3A_46 = arith.addi %add3A_26, %add3A_45 : i32
    %dma_start3A_47 = tpu.memref_slice %arg3[%add3A_46] : memref<320000xi32, #tpu.memory_space<hbm>> -> memref<80xi32, #tpu.memory_space<hbm>>
    %dma_start3A_48 = tpu.memref_slice %arg3[%add3A_46] : memref<320000xi32, #tpu.memory_space<hbm>> -> memref<80xi32, #tpu.memory_space<hbm>>
    tpu.enqueue_dma source(%dma_start3A_48 : memref<80xi32, #tpu.memory_space<hbm>>) target(%arg9 : memref<80xi32, #tpu.memory_space<vmem>>) target_semaphore(%arg25 : memref<!tpu.dma_semaphore, #tpu.memory_space<semaphore_mem>>)
    %dma_wait3A_49 = tpu.memref_slice %arg3[%add3A_46] : memref<320000xi32, #tpu.memory_space<hbm>> -> memref<80xi32, #tpu.memory_space<hbm>>
    %dma_wait3A_50 = tpu.memref_slice %arg3[%add3A_46] : memref<320000xi32, #tpu.memory_space<hbm>> -> memref<80xi32, #tpu.memory_space<hbm>>
    tpu.wait_dma2 semaphore(%arg25 : memref<!tpu.dma_semaphore, #tpu.memory_space<semaphore_mem>>) src(%dma_wait3A_50 : memref<80xi32, #tpu.memory_space<hbm>>) dst(%arg9 : memref<80xi32, #tpu.memory_space<vmem>>)
    %dma_start3A_51 = tpu.memref_slice %arg4[%add3A_46] : memref<320000xi32, #tpu.memory_space<hbm>> -> memref<80xi32, #tpu.memory_space<hbm>>
    %dma_start3A_52 = tpu.memref_slice %arg4[%add3A_46] : memref<320000xi32, #tpu.memory_space<hbm>> -> memref<80xi32, #tpu.memory_space<hbm>>
    tpu.enqueue_dma source(%dma_start3A_52 : memref<80xi32, #tpu.memory_space<hbm>>) target(%arg13 : memref<80xi32, #tpu.memory_space<vmem>>) target_semaphore(%arg25 : memref<!tpu.dma_semaphore, #tpu.memory_space<semaphore_mem>>)
    %dma_wait3A_53 = tpu.memref_slice %arg4[%add3A_46] : memref<320000xi32, #tpu.memory_space<hbm>> -> memref<80xi32, #tpu.memory_space<hbm>>
    %dma_wait3A_54 = tpu.memref_slice %arg4[%add3A_46] : memref<320000xi32, #tpu.memory_space<hbm>> -> memref<80xi32, #tpu.memory_space<hbm>>
    tpu.wait_dma2 semaphore(%arg25 : memref<!tpu.dma_semaphore, #tpu.memory_space<semaphore_mem>>) src(%dma_wait3A_54 : memref<80xi32, #tpu.memory_space<hbm>>) dst(%arg13 : memref<80xi32, #tpu.memory_space<vmem>>)
    %add3A_55 = arith.constant 240 : i32
    %add3A_56 = arith.addi %add3A_26, %add3A_55 : i32
    %dma_start3A_57 = tpu.memref_slice %arg3[%add3A_56] : memref<320000xi32, #tpu.memory_space<hbm>> -> memref<80xi32, #tpu.memory_space<hbm>>
    %dma_start3A_58 = tpu.memref_slice %arg3[%add3A_56] : memref<320000xi32, #tpu.memory_space<hbm>> -> memref<80xi32, #tpu.memory_space<hbm>>
    tpu.enqueue_dma source(%dma_start3A_58 : memref<80xi32, #tpu.memory_space<hbm>>) target(%arg10 : memref<80xi32, #tpu.memory_space<vmem>>) target_semaphore(%arg26 : memref<!tpu.dma_semaphore, #tpu.memory_space<semaphore_mem>>)
    %dma_start3A_59 = tpu.memref_slice %arg4[%add3A_56] : memref<320000xi32, #tpu.memory_space<hbm>> -> memref<80xi32, #tpu.memory_space<hbm>>
    %dma_start3A_60 = tpu.memref_slice %arg4[%add3A_56] : memref<320000xi32, #tpu.memory_space<hbm>> -> memref<80xi32, #tpu.memory_space<hbm>>
    tpu.enqueue_dma source(%dma_start3A_60 : memref<80xi32, #tpu.memory_space<hbm>>) target(%arg14 : memref<80xi32, #tpu.memory_space<vmem>>) target_semaphore(%arg26 : memref<!tpu.dma_semaphore, #tpu.memory_space<semaphore_mem>>)
    %dma_start3A_61 = arith.constant 0 : i32
    %dma_start3A_62 = arith.constant 0 : i32
    %dma_start3A_63 = tpu.memref_slice %arg2[%dma_start3A_61, %dma_start3A_62] : memref<10000x128xf32, #tpu.memory_space<hbm>> -> memref<10000x128xf32, #tpu.memory_space<hbm>>
    tpu.enqueue_indirect_dma source(%dma_start3A_63 : memref<10000x128xf32, #tpu.memory_space<hbm>>) target(%arg15 : memref<80x128xf32, #tpu.memory_space<vmem>>) offsets(%arg7 : memref<80xi32, #tpu.memory_space<vmem>>) semaphore(%arg19 : memref<!tpu.dma_semaphore, #tpu.memory_space<semaphore_mem>>)
    %dma_start3A_64 = arith.constant 0 : i32
    %dma_start3A_65 = arith.constant 0 : i32
    %dma_start3A_66 = tpu.memref_slice %arg2[%dma_start3A_64, %dma_start3A_65] : memref<10000x128xf32, #tpu.memory_space<hbm>> -> memref<10000x128xf32, #tpu.memory_space<hbm>>
    tpu.enqueue_indirect_dma source(%dma_start3A_66 : memref<10000x128xf32, #tpu.memory_space<hbm>>) target(%arg16 : memref<80x128xf32, #tpu.memory_space<vmem>>) offsets(%arg8 : memref<80xi32, #tpu.memory_space<vmem>>) semaphore(%arg20 : memref<!tpu.dma_semaphore, #tpu.memory_space<semaphore_mem>>)
    %dma_start3A_67 = arith.constant 0 : i32
    %dma_start3A_68 = arith.constant 0 : i32
    %dma_start3A_69 = tpu.memref_slice %arg2[%dma_start3A_67, %dma_start3A_68] : memref<10000x128xf32, #tpu.memory_space<hbm>> -> memref<10000x128xf32, #tpu.memory_space<hbm>>
    tpu.enqueue_indirect_dma source(%dma_start3A_69 : memref<10000x128xf32, #tpu.memory_space<hbm>>) target(%arg17 : memref<80x128xf32, #tpu.memory_space<vmem>>) offsets(%arg9 : memref<80xi32, #tpu.memory_space<vmem>>) semaphore(%arg21 : memref<!tpu.dma_semaphore, #tpu.memory_space<semaphore_mem>>)
    %scan3A_70 = arith.constant 0 : i32
    %scan3A_71 = arith.constant 0 : i32
    %scan3A_72 = arith.constant 31 : i32
    %scan3A_73 = arith.addi %scan3A_71, %scan3A_72 : i32
    %scan3A_74 = arith.constant 1 : i32
    %scan3A_75 = scf.for %scan3A_88 = %scan3A_71 to %scan3A_73 step %scan3A_74 iter_args(%scan3A_89 = %scan3A_70) -> (i32)  : i32 {
      %mul3A_90 = arith.constant 4 : i32
      %mul3A_91 = arith.muli %scan3A_88, %mul3A_90 : i32
      %add3A_92 = arith.constant 0 : i32
      %add3A_93 = arith.addi %mul3A_91, %add3A_92 : i32
      %dma_wait3A_94 = arith.constant 0 : i32
      %dma_wait3A_95 = arith.constant 0 : i32
      %dma_wait3A_96 = tpu.memref_slice %arg2[%dma_wait3A_94, %dma_wait3A_95] : memref<10000x128xf32, #tpu.memory_space<hbm>> -> memref<10000x128xf32, #tpu.memory_space<hbm>>
      tpu.wait_indirect_dma semaphore(%arg19 : memref<!tpu.dma_semaphore, #tpu.memory_space<semaphore_mem>>) src(%dma_wait3A_96 : memref<10000x128xf32, #tpu.memory_space<hbm>>) dst(%arg15 : memref<80x128xf32, #tpu.memory_space<vmem>>)
      "tpu.region"() ({
        %run_scoped3A = tpu.sem_alloc : memref<!tpu.dma_semaphore, #tpu.memory_space<semaphore_mem>>
        %dma_start3A_181 = arith.constant 0 : i32
        %dma_start3A_182 = arith.constant 0 : i32
        %dma_start3A_183 = tpu.memref_slice %arg27[%dma_start3A_181, %dma_start3A_182] : memref<10240x128xf32, #tpu.memory_space<vmem_shared>> -> memref<10240x128xf32, #tpu.memory_space<vmem_shared>>
        tpu.enqueue_indirect_dma source(%arg15 : memref<80x128xf32, #tpu.memory_space<vmem>>) target(%dma_start3A_183 : memref<10240x128xf32, #tpu.memory_space<vmem_shared>>) offsets(%arg11 : memref<80xi32, #tpu.memory_space<vmem>>) semaphore(%run_scoped3A : memref<!tpu.dma_semaphore, #tpu.memory_space<semaphore_mem>>) {add = true}
        %dma_wait3A_184 = arith.constant 0 : i32
        %dma_wait3A_185 = arith.constant 0 : i32
        %dma_wait3A_186 = tpu.memref_slice %arg27[%dma_wait3A_184, %dma_wait3A_185] : memref<10240x128xf32, #tpu.memory_space<vmem_shared>> -> memref<10240x128xf32, #tpu.memory_space<vmem_shared>>
        tpu.wait_indirect_dma semaphore(%run_scoped3A : memref<!tpu.dma_semaphore, #tpu.memory_space<semaphore_mem>>) src(%arg15 : memref<80x128xf32, #tpu.memory_space<vmem>>) dst(%dma_wait3A_186 : memref<10240x128xf32, #tpu.memory_space<vmem_shared>>)
        tpu.yield
      }) : () -> ()
      %add3A_97 = arith.constant 4 : i32
      %add3A_98 = arith.addi %add3A_93, %add3A_97 : i32
      %lt3A = arith.constant 125 : i32
      %lt3A_99 = arith.cmpi slt, %add3A_98, %lt3A : i32
      %convert_element_type3A_100 = arith.extui %lt3A_99 : i1 to i32
      %cond3A_101 = arith.constant 0 : i32
      %cond3A_102 = arith.cmpi ne, %convert_element_type3A_100, %cond3A_101 : i32
      scf.if %cond3A_102 {
        %add3A_181 = arith.constant 4 : i32
        %add3A_182 = arith.addi %add3A_93, %add3A_181 : i32
        %mul3A_183 = arith.constant 80 : i32
        %mul3A_184 = arith.muli %add3A_182, %mul3A_183 : i32
        %add3A_185 = arith.addi %add3A_26, %mul3A_184 : i32
        %dma_start3A_186 = tpu.memref_slice %arg3[%add3A_185] : memref<320000xi32, #tpu.memory_space<hbm>> -> memref<80xi32, #tpu.memory_space<hbm>>
        %dma_start3A_187 = tpu.memref_slice %arg3[%add3A_185] : memref<320000xi32, #tpu.memory_space<hbm>> -> memref<80xi32, #tpu.memory_space<hbm>>
        tpu.enqueue_dma source(%dma_start3A_187 : memref<80xi32, #tpu.memory_space<hbm>>) target(%arg7 : memref<80xi32, #tpu.memory_space<vmem>>) target_semaphore(%arg23 : memref<!tpu.dma_semaphore, #tpu.memory_space<semaphore_mem>>)
        %dma_start3A_188 = tpu.memref_slice %arg4[%add3A_185] : memref<320000xi32, #tpu.memory_space<hbm>> -> memref<80xi32, #tpu.memory_space<hbm>>
        %dma_start3A_189 = tpu.memref_slice %arg4[%add3A_185] : memref<320000xi32, #tpu.memory_space<hbm>> -> memref<80xi32, #tpu.memory_space<hbm>>
        tpu.enqueue_dma source(%dma_start3A_189 : memref<80xi32, #tpu.memory_space<hbm>>) target(%arg11 : memref<80xi32, #tpu.memory_space<vmem>>) target_semaphore(%arg23 : memref<!tpu.dma_semaphore, #tpu.memory_space<semaphore_mem>>)
      } else {
      }
      %add3A_103 = arith.constant 4 : i32
      %add3A_104 = arith.addi %add3A_93, %add3A_103 : i32
      %sub3A = arith.constant 1 : i32
      %sub3A_105 = arith.subi %add3A_104, %sub3A : i32
      %lt3A_106 = arith.constant 125 : i32
      %lt3A_107 = arith.cmpi slt, %sub3A_105, %lt3A_106 : i32
      %convert_element_type3A_108 = arith.extui %lt3A_107 : i1 to i32
      %cond3A_109 = arith.constant 0 : i32
      %cond3A_110 = arith.cmpi ne, %convert_element_type3A_108, %cond3A_109 : i32
      scf.if %cond3A_110 {
        %add3A_181 = arith.constant 0 : i32
        %add3A_182 = arith.addi %add3A_26, %add3A_181 : i32
        %dma_wait3A_183 = tpu.memref_slice %arg3[%add3A_182] : memref<320000xi32, #tpu.memory_space<hbm>> -> memref<80xi32, #tpu.memory_space<hbm>>
        %dma_wait3A_184 = tpu.memref_slice %arg3[%add3A_182] : memref<320000xi32, #tpu.memory_space<hbm>> -> memref<80xi32, #tpu.memory_space<hbm>>
        tpu.wait_dma2 semaphore(%arg26 : memref<!tpu.dma_semaphore, #tpu.memory_space<semaphore_mem>>) src(%dma_wait3A_184 : memref<80xi32, #tpu.memory_space<hbm>>) dst(%arg10 : memref<80xi32, #tpu.memory_space<vmem>>)
        %dma_wait3A_185 = tpu.memref_slice %arg4[%add3A_182] : memref<320000xi32, #tpu.memory_space<hbm>> -> memref<80xi32, #tpu.memory_space<hbm>>
        %dma_wait3A_186 = tpu.memref_slice %arg4[%add3A_182] : memref<320000xi32, #tpu.memory_space<hbm>> -> memref<80xi32, #tpu.memory_space<hbm>>
        tpu.wait_dma2 semaphore(%arg26 : memref<!tpu.dma_semaphore, #tpu.memory_space<semaphore_mem>>) src(%dma_wait3A_186 : memref<80xi32, #tpu.memory_space<hbm>>) dst(%arg14 : memref<80xi32, #tpu.memory_space<vmem>>)
        %dma_start3A_187 = arith.constant 0 : i32
        %dma_start3A_188 = arith.constant 0 : i32
        %dma_start3A_189 = tpu.memref_slice %arg2[%dma_start3A_187, %dma_start3A_188] : memref<10000x128xf32, #tpu.memory_space<hbm>> -> memref<10000x128xf32, #tpu.memory_space<hbm>>
        tpu.enqueue_indirect_dma source(%dma_start3A_189 : memref<10000x128xf32, #tpu.memory_space<hbm>>) target(%arg18 : memref<80x128xf32, #tpu.memory_space<vmem>>) offsets(%arg10 : memref<80xi32, #tpu.memory_space<vmem>>) semaphore(%arg22 : memref<!tpu.dma_semaphore, #tpu.memory_space<semaphore_mem>>)
      } else {
      }
      %mul3A_111 = arith.constant 4 : i32
      %mul3A_112 = arith.muli %scan3A_88, %mul3A_111 : i32
      %add3A_113 = arith.constant 1 : i32
      %add3A_114 = arith.addi %mul3A_112, %add3A_113 : i32
      %dma_wait3A_115 = arith.constant 0 : i32
      %dma_wait3A_116 = arith.constant 0 : i32
      %dma_wait3A_117 = tpu.memref_slice %arg2[%dma_wait3A_115, %dma_wait3A_116] : memref<10000x128xf32, #tpu.memory_space<hbm>> -> memref<10000x128xf32, #tpu.memory_space<hbm>>
      tpu.wait_indirect_dma semaphore(%arg20 : memref<!tpu.dma_semaphore, #tpu.memory_space<semaphore_mem>>) src(%dma_wait3A_117 : memref<10000x128xf32, #tpu.memory_space<hbm>>) dst(%arg16 : memref<80x128xf32, #tpu.memory_space<vmem>>)
      "tpu.region"() ({
        %run_scoped3A = tpu.sem_alloc : memref<!tpu.dma_semaphore, #tpu.memory_space<semaphore_mem>>
        %dma_start3A_181 = arith.constant 0 : i32
        %dma_start3A_182 = arith.constant 0 : i32
        %dma_start3A_183 = tpu.memref_slice %arg27[%dma_start3A_181, %dma_start3A_182] : memref<10240x128xf32, #tpu.memory_space<vmem_shared>> -> memref<10240x128xf32, #tpu.memory_space<vmem_shared>>
        tpu.enqueue_indirect_dma source(%arg16 : memref<80x128xf32, #tpu.memory_space<vmem>>) target(%dma_start3A_183 : memref<10240x128xf32, #tpu.memory_space<vmem_shared>>) offsets(%arg12 : memref<80xi32, #tpu.memory_space<vmem>>) semaphore(%run_scoped3A : memref<!tpu.dma_semaphore, #tpu.memory_space<semaphore_mem>>) {add = true}
        %dma_wait3A_184 = arith.constant 0 : i32
        %dma_wait3A_185 = arith.constant 0 : i32
        %dma_wait3A_186 = tpu.memref_slice %arg27[%dma_wait3A_184, %dma_wait3A_185] : memref<10240x128xf32, #tpu.memory_space<vmem_shared>> -> memref<10240x128xf32, #tpu.memory_space<vmem_shared>>
        tpu.wait_indirect_dma semaphore(%run_scoped3A : memref<!tpu.dma_semaphore, #tpu.memory_space<semaphore_mem>>) src(%arg16 : memref<80x128xf32, #tpu.memory_space<vmem>>) dst(%dma_wait3A_186 : memref<10240x128xf32, #tpu.memory_space<vmem_shared>>)
        tpu.yield
      }) : () -> ()
      %add3A_118 = arith.constant 4 : i32
      %add3A_119 = arith.addi %add3A_114, %add3A_118 : i32
      %lt3A_120 = arith.constant 125 : i32
      %lt3A_121 = arith.cmpi slt, %add3A_119, %lt3A_120 : i32
      %convert_element_type3A_122 = arith.extui %lt3A_121 : i1 to i32
      %cond3A_123 = arith.constant 0 : i32
      %cond3A_124 = arith.cmpi ne, %convert_element_type3A_122, %cond3A_123 : i32
      scf.if %cond3A_124 {
        %add3A_181 = arith.constant 4 : i32
        %add3A_182 = arith.addi %add3A_114, %add3A_181 : i32
        %mul3A_183 = arith.constant 80 : i32
        %mul3A_184 = arith.muli %add3A_182, %mul3A_183 : i32
        %add3A_185 = arith.addi %add3A_26, %mul3A_184 : i32
        %dma_start3A_186 = tpu.memref_slice %arg3[%add3A_185] : memref<320000xi32, #tpu.memory_space<hbm>> -> memref<80xi32, #tpu.memory_space<hbm>>
        %dma_start3A_187 = tpu.memref_slice %arg3[%add3A_185] : memref<320000xi32, #tpu.memory_space<hbm>> -> memref<80xi32, #tpu.memory_space<hbm>>
        tpu.enqueue_dma source(%dma_start3A_187 : memref<80xi32, #tpu.memory_space<hbm>>) target(%arg8 : memref<80xi32, #tpu.memory_space<vmem>>) target_semaphore(%arg24 : memref<!tpu.dma_semaphore, #tpu.memory_space<semaphore_mem>>)
        %dma_start3A_188 = tpu.memref_slice %arg4[%add3A_185] : memref<320000xi32, #tpu.memory_space<hbm>> -> memref<80xi32, #tpu.memory_space<hbm>>
        %dma_start3A_189 = tpu.memref_slice %arg4[%add3A_185] : memref<320000xi32, #tpu.memory_space<hbm>> -> memref<80xi32, #tpu.memory_space<hbm>>
        tpu.enqueue_dma source(%dma_start3A_189 : memref<80xi32, #tpu.memory_space<hbm>>) target(%arg12 : memref<80xi32, #tpu.memory_space<vmem>>) target_semaphore(%arg24 : memref<!tpu.dma_semaphore, #tpu.memory_space<semaphore_mem>>)
      } else {
      }
      %add3A_125 = arith.constant 4 : i32
      %add3A_126 = arith.addi %add3A_114, %add3A_125 : i32
      %sub3A_127 = arith.constant 1 : i32
      %sub3A_128 = arith.subi %add3A_126, %sub3A_127 : i32
      %lt3A_129 = arith.constant 125 : i32
      %lt3A_130 = arith.cmpi slt, %sub3A_128, %lt3A_129 : i32
      %convert_element_type3A_131 = arith.extui %lt3A_130 : i1 to i32
      %cond3A_132 = arith.constant 0 : i32
      %cond3A_133 = arith.cmpi ne, %convert_element_type3A_131, %cond3A_132 : i32
      scf.if %cond3A_133 {
        %add3A_181 = arith.constant 0 : i32
        %add3A_182 = arith.addi %add3A_26, %add3A_181 : i32
        %dma_wait3A_183 = tpu.memref_slice %arg3[%add3A_182] : memref<320000xi32, #tpu.memory_space<hbm>> -> memref<80xi32, #tpu.memory_space<hbm>>
        %dma_wait3A_184 = tpu.memref_slice %arg3[%add3A_182] : memref<320000xi32, #tpu.memory_space<hbm>> -> memref<80xi32, #tpu.memory_space<hbm>>
        tpu.wait_dma2 semaphore(%arg23 : memref<!tpu.dma_semaphore, #tpu.memory_space<semaphore_mem>>) src(%dma_wait3A_184 : memref<80xi32, #tpu.memory_space<hbm>>) dst(%arg7 : memref<80xi32, #tpu.memory_space<vmem>>)
        %dma_wait3A_185 = tpu.memref_slice %arg4[%add3A_182] : memref<320000xi32, #tpu.memory_space<hbm>> -> memref<80xi32, #tpu.memory_space<hbm>>
        %dma_wait3A_186 = tpu.memref_slice %arg4[%add3A_182] : memref<320000xi32, #tpu.memory_space<hbm>> -> memref<80xi32, #tpu.memory_space<hbm>>
        tpu.wait_dma2 semaphore(%arg23 : memref<!tpu.dma_semaphore, #tpu.memory_space<semaphore_mem>>) src(%dma_wait3A_186 : memref<80xi32, #tpu.memory_space<hbm>>) dst(%arg11 : memref<80xi32, #tpu.memory_space<vmem>>)
        %dma_start3A_187 = arith.constant 0 : i32
        %dma_start3A_188 = arith.constant 0 : i32
        %dma_start3A_189 = tpu.memref_slice %arg2[%dma_start3A_187, %dma_start3A_188] : memref<10000x128xf32, #tpu.memory_space<hbm>> -> memref<10000x128xf32, #tpu.memory_space<hbm>>
        tpu.enqueue_indirect_dma source(%dma_start3A_189 : memref<10000x128xf32, #tpu.memory_space<hbm>>) target(%arg15 : memref<80x128xf32, #tpu.memory_space<vmem>>) offsets(%arg7 : memref<80xi32, #tpu.memory_space<vmem>>) semaphore(%arg19 : memref<!tpu.dma_semaphore, #tpu.memory_space<semaphore_mem>>)
      } else {
      }
      %mul3A_134 = arith.constant 4 : i32
      %mul3A_135 = arith.muli %scan3A_88, %mul3A_134 : i32
      %add3A_136 = arith.constant 2 : i32
      %add3A_137 = arith.addi %mul3A_135, %add3A_136 : i32
      %dma_wait3A_138 = arith.constant 0 : i32
      %dma_wait3A_139 = arith.constant 0 : i32
      %dma_wait3A_140 = tpu.memref_slice %arg2[%dma_wait3A_138, %dma_wait3A_139] : memref<10000x128xf32, #tpu.memory_space<hbm>> -> memref<10000x128xf32, #tpu.memory_space<hbm>>
      tpu.wait_indirect_dma semaphore(%arg21 : memref<!tpu.dma_semaphore, #tpu.memory_space<semaphore_mem>>) src(%dma_wait3A_140 : memref<10000x128xf32, #tpu.memory_space<hbm>>) dst(%arg17 : memref<80x128xf32, #tpu.memory_space<vmem>>)
      "tpu.region"() ({
        %run_scoped3A = tpu.sem_alloc : memref<!tpu.dma_semaphore, #tpu.memory_space<semaphore_mem>>
        %dma_start3A_181 = arith.constant 0 : i32
        %dma_start3A_182 = arith.constant 0 : i32
        %dma_start3A_183 = tpu.memref_slice %arg27[%dma_start3A_181, %dma_start3A_182] : memref<10240x128xf32, #tpu.memory_space<vmem_shared>> -> memref<10240x128xf32, #tpu.memory_space<vmem_shared>>
        tpu.enqueue_indirect_dma source(%arg17 : memref<80x128xf32, #tpu.memory_space<vmem>>) target(%dma_start3A_183 : memref<10240x128xf32, #tpu.memory_space<vmem_shared>>) offsets(%arg13 : memref<80xi32, #tpu.memory_space<vmem>>) semaphore(%run_scoped3A : memref<!tpu.dma_semaphore, #tpu.memory_space<semaphore_mem>>) {add = true}
        %dma_wait3A_184 = arith.constant 0 : i32
        %dma_wait3A_185 = arith.constant 0 : i32
        %dma_wait3A_186 = tpu.memref_slice %arg27[%dma_wait3A_184, %dma_wait3A_185] : memref<10240x128xf32, #tpu.memory_space<vmem_shared>> -> memref<10240x128xf32, #tpu.memory_space<vmem_shared>>
        tpu.wait_indirect_dma semaphore(%run_scoped3A : memref<!tpu.dma_semaphore, #tpu.memory_space<semaphore_mem>>) src(%arg17 : memref<80x128xf32, #tpu.memory_space<vmem>>) dst(%dma_wait3A_186 : memref<10240x128xf32, #tpu.memory_space<vmem_shared>>)
        tpu.yield
      }) : () -> ()
      %add3A_141 = arith.constant 4 : i32
      %add3A_142 = arith.addi %add3A_137, %add3A_141 : i32
      %lt3A_143 = arith.constant 125 : i32
      %lt3A_144 = arith.cmpi slt, %add3A_142, %lt3A_143 : i32
      %convert_element_type3A_145 = arith.extui %lt3A_144 : i1 to i32
      %cond3A_146 = arith.constant 0 : i32
      %cond3A_147 = arith.cmpi ne, %convert_element_type3A_145, %cond3A_146 : i32
      scf.if %cond3A_147 {
        %add3A_181 = arith.constant 4 : i32
        %add3A_182 = arith.addi %add3A_137, %add3A_181 : i32
        %mul3A_183 = arith.constant 80 : i32
        %mul3A_184 = arith.muli %add3A_182, %mul3A_183 : i32
        %add3A_185 = arith.addi %add3A_26, %mul3A_184 : i32
        %dma_start3A_186 = tpu.memref_slice %arg3[%add3A_185] : memref<320000xi32, #tpu.memory_space<hbm>> -> memref<80xi32, #tpu.memory_space<hbm>>
        %dma_start3A_187 = tpu.memref_slice %arg3[%add3A_185] : memref<320000xi32, #tpu.memory_space<hbm>> -> memref<80xi32, #tpu.memory_space<hbm>>
        tpu.enqueue_dma source(%dma_start3A_187 : memref<80xi32, #tpu.memory_space<hbm>>) target(%arg9 : memref<80xi32, #tpu.memory_space<vmem>>) target_semaphore(%arg25 : memref<!tpu.dma_semaphore, #tpu.memory_space<semaphore_mem>>)
        %dma_start3A_188 = tpu.memref_slice %arg4[%add3A_185] : memref<320000xi32, #tpu.memory_space<hbm>> -> memref<80xi32, #tpu.memory_space<hbm>>
        %dma_start3A_189 = tpu.memref_slice %arg4[%add3A_185] : memref<320000xi32, #tpu.memory_space<hbm>> -> memref<80xi32, #tpu.memory_space<hbm>>
        tpu.enqueue_dma source(%dma_start3A_189 : memref<80xi32, #tpu.memory_space<hbm>>) target(%arg13 : memref<80xi32, #tpu.memory_space<vmem>>) target_semaphore(%arg25 : memref<!tpu.dma_semaphore, #tpu.memory_space<semaphore_mem>>)
      } else {
      }
      %add3A_148 = arith.constant 4 : i32
      %add3A_149 = arith.addi %add3A_137, %add3A_148 : i32
      %sub3A_150 = arith.constant 1 : i32
      %sub3A_151 = arith.subi %add3A_149, %sub3A_150 : i32
      %lt3A_152 = arith.constant 125 : i32
      %lt3A_153 = arith.cmpi slt, %sub3A_151, %lt3A_152 : i32
      %convert_element_type3A_154 = arith.extui %lt3A_153 : i1 to i32
      %cond3A_155 = arith.constant 0 : i32
      %cond3A_156 = arith.cmpi ne, %convert_element_type3A_154, %cond3A_155 : i32
      scf.if %cond3A_156 {
        %add3A_181 = arith.constant 0 : i32
        %add3A_182 = arith.addi %add3A_26, %add3A_181 : i32
        %dma_wait3A_183 = tpu.memref_slice %arg3[%add3A_182] : memref<320000xi32, #tpu.memory_space<hbm>> -> memref<80xi32, #tpu.memory_space<hbm>>
        %dma_wait3A_184 = tpu.memref_slice %arg3[%add3A_182] : memref<320000xi32, #tpu.memory_space<hbm>> -> memref<80xi32, #tpu.memory_space<hbm>>
        tpu.wait_dma2 semaphore(%arg24 : memref<!tpu.dma_semaphore, #tpu.memory_space<semaphore_mem>>) src(%dma_wait3A_184 : memref<80xi32, #tpu.memory_space<hbm>>) dst(%arg8 : memref<80xi32, #tpu.memory_space<vmem>>)
        %dma_wait3A_185 = tpu.memref_slice %arg4[%add3A_182] : memref<320000xi32, #tpu.memory_space<hbm>> -> memref<80xi32, #tpu.memory_space<hbm>>
        %dma_wait3A_186 = tpu.memref_slice %arg4[%add3A_182] : memref<320000xi32, #tpu.memory_space<hbm>> -> memref<80xi32, #tpu.memory_space<hbm>>
        tpu.wait_dma2 semaphore(%arg24 : memref<!tpu.dma_semaphore, #tpu.memory_space<semaphore_mem>>) src(%dma_wait3A_186 : memref<80xi32, #tpu.memory_space<hbm>>) dst(%arg12 : memref<80xi32, #tpu.memory_space<vmem>>)
        %dma_start3A_187 = arith.constant 0 : i32
        %dma_start3A_188 = arith.constant 0 : i32
        %dma_start3A_189 = tpu.memref_slice %arg2[%dma_start3A_187, %dma_start3A_188] : memref<10000x128xf32, #tpu.memory_space<hbm>> -> memref<10000x128xf32, #tpu.memory_space<hbm>>
        tpu.enqueue_indirect_dma source(%dma_start3A_189 : memref<10000x128xf32, #tpu.memory_space<hbm>>) target(%arg16 : memref<80x128xf32, #tpu.memory_space<vmem>>) offsets(%arg8 : memref<80xi32, #tpu.memory_space<vmem>>) semaphore(%arg20 : memref<!tpu.dma_semaphore, #tpu.memory_space<semaphore_mem>>)
      } else {
      }
      %mul3A_157 = arith.constant 4 : i32
      %mul3A_158 = arith.muli %scan3A_88, %mul3A_157 : i32
      %add3A_159 = arith.constant 3 : i32
      %add3A_160 = arith.addi %mul3A_158, %add3A_159 : i32
      %dma_wait3A_161 = arith.constant 0 : i32
      %dma_wait3A_162 = arith.constant 0 : i32
      %dma_wait3A_163 = tpu.memref_slice %arg2[%dma_wait3A_161, %dma_wait3A_162] : memref<10000x128xf32, #tpu.memory_space<hbm>> -> memref<10000x128xf32, #tpu.memory_space<hbm>>
      tpu.wait_indirect_dma semaphore(%arg22 : memref<!tpu.dma_semaphore, #tpu.memory_space<semaphore_mem>>) src(%dma_wait3A_163 : memref<10000x128xf32, #tpu.memory_space<hbm>>) dst(%arg18 : memref<80x128xf32, #tpu.memory_space<vmem>>)
      "tpu.region"() ({
        %run_scoped3A = tpu.sem_alloc : memref<!tpu.dma_semaphore, #tpu.memory_space<semaphore_mem>>
        %dma_start3A_181 = arith.constant 0 : i32
        %dma_start3A_182 = arith.constant 0 : i32
        %dma_start3A_183 = tpu.memref_slice %arg27[%dma_start3A_181, %dma_start3A_182] : memref<10240x128xf32, #tpu.memory_space<vmem_shared>> -> memref<10240x128xf32, #tpu.memory_space<vmem_shared>>
        tpu.enqueue_indirect_dma source(%arg18 : memref<80x128xf32, #tpu.memory_space<vmem>>) target(%dma_start3A_183 : memref<10240x128xf32, #tpu.memory_space<vmem_shared>>) offsets(%arg14 : memref<80xi32, #tpu.memory_space<vmem>>) semaphore(%run_scoped3A : memref<!tpu.dma_semaphore, #tpu.memory_space<semaphore_mem>>) {add = true}
        %dma_wait3A_184 = arith.constant 0 : i32
        %dma_wait3A_185 = arith.constant 0 : i32
        %dma_wait3A_186 = tpu.memref_slice %arg27[%dma_wait3A_184, %dma_wait3A_185] : memref<10240x128xf32, #tpu.memory_space<vmem_shared>> -> memref<10240x128xf32, #tpu.memory_space<vmem_shared>>
        tpu.wait_indirect_dma semaphore(%run_scoped3A : memref<!tpu.dma_semaphore, #tpu.memory_space<semaphore_mem>>) src(%arg18 : memref<80x128xf32, #tpu.memory_space<vmem>>) dst(%dma_wait3A_186 : memref<10240x128xf32, #tpu.memory_space<vmem_shared>>)
        tpu.yield
      }) : () -> ()
      %add3A_164 = arith.constant 4 : i32
      %add3A_165 = arith.addi %add3A_160, %add3A_164 : i32
      %lt3A_166 = arith.constant 125 : i32
      %lt3A_167 = arith.cmpi slt, %add3A_165, %lt3A_166 : i32
      %convert_element_type3A_168 = arith.extui %lt3A_167 : i1 to i32
      %cond3A_169 = arith.constant 0 : i32
      %cond3A_170 = arith.cmpi ne, %convert_element_type3A_168, %cond3A_169 : i32
      scf.if %cond3A_170 {
        %add3A_181 = arith.constant 4 : i32
        %add3A_182 = arith.addi %add3A_160, %add3A_181 : i32
        %mul3A_183 = arith.constant 80 : i32
        %mul3A_184 = arith.muli %add3A_182, %mul3A_183 : i32
        %add3A_185 = arith.addi %add3A_26, %mul3A_184 : i32
        %dma_start3A_186 = tpu.memref_slice %arg3[%add3A_185] : memref<320000xi32, #tpu.memory_space<hbm>> -> memref<80xi32, #tpu.memory_space<hbm>>
        %dma_start3A_187 = tpu.memref_slice %arg3[%add3A_185] : memref<320000xi32, #tpu.memory_space<hbm>> -> memref<80xi32, #tpu.memory_space<hbm>>
        tpu.enqueue_dma source(%dma_start3A_187 : memref<80xi32, #tpu.memory_space<hbm>>) target(%arg10 : memref<80xi32, #tpu.memory_space<vmem>>) target_semaphore(%arg26 : memref<!tpu.dma_semaphore, #tpu.memory_space<semaphore_mem>>)
        %dma_start3A_188 = tpu.memref_slice %arg4[%add3A_185] : memref<320000xi32, #tpu.memory_space<hbm>> -> memref<80xi32, #tpu.memory_space<hbm>>
        %dma_start3A_189 = tpu.memref_slice %arg4[%add3A_185] : memref<320000xi32, #tpu.memory_space<hbm>> -> memref<80xi32, #tpu.memory_space<hbm>>
        tpu.enqueue_dma source(%dma_start3A_189 : memref<80xi32, #tpu.memory_space<hbm>>) target(%arg14 : memref<80xi32, #tpu.memory_space<vmem>>) target_semaphore(%arg26 : memref<!tpu.dma_semaphore, #tpu.memory_space<semaphore_mem>>)
      } else {
      }
      %add3A_171 = arith.constant 4 : i32
      %add3A_172 = arith.addi %add3A_160, %add3A_171 : i32
      %sub3A_173 = arith.constant 1 : i32
      %sub3A_174 = arith.subi %add3A_172, %sub3A_173 : i32
      %lt3A_175 = arith.constant 125 : i32
      %lt3A_176 = arith.cmpi slt, %sub3A_174, %lt3A_175 : i32
      %convert_element_type3A_177 = arith.extui %lt3A_176 : i1 to i32
      %cond3A_178 = arith.constant 0 : i32
      %cond3A_179 = arith.cmpi ne, %convert_element_type3A_177, %cond3A_178 : i32
      scf.if %cond3A_179 {
        %add3A_181 = arith.constant 0 : i32
        %add3A_182 = arith.addi %add3A_26, %add3A_181 : i32
        %dma_wait3A_183 = tpu.memref_slice %arg3[%add3A_182] : memref<320000xi32, #tpu.memory_space<hbm>> -> memref<80xi32, #tpu.memory_space<hbm>>
        %dma_wait3A_184 = tpu.memref_slice %arg3[%add3A_182] : memref<320000xi32, #tpu.memory_space<hbm>> -> memref<80xi32, #tpu.memory_space<hbm>>
        tpu.wait_dma2 semaphore(%arg25 : memref<!tpu.dma_semaphore, #tpu.memory_space<semaphore_mem>>) src(%dma_wait3A_184 : memref<80xi32, #tpu.memory_space<hbm>>) dst(%arg9 : memref<80xi32, #tpu.memory_space<vmem>>)
        %dma_wait3A_185 = tpu.memref_slice %arg4[%add3A_182] : memref<320000xi32, #tpu.memory_space<hbm>> -> memref<80xi32, #tpu.memory_space<hbm>>
        %dma_wait3A_186 = tpu.memref_slice %arg4[%add3A_182] : memref<320000xi32, #tpu.memory_space<hbm>> -> memref<80xi32, #tpu.memory_space<hbm>>
        tpu.wait_dma2 semaphore(%arg25 : memref<!tpu.dma_semaphore, #tpu.memory_space<semaphore_mem>>) src(%dma_wait3A_186 : memref<80xi32, #tpu.memory_space<hbm>>) dst(%arg13 : memref<80xi32, #tpu.memory_space<vmem>>)
        %dma_start3A_187 = arith.constant 0 : i32
        %dma_start3A_188 = arith.constant 0 : i32
        %dma_start3A_189 = tpu.memref_slice %arg2[%dma_start3A_187, %dma_start3A_188] : memref<10000x128xf32, #tpu.memory_space<hbm>> -> memref<10000x128xf32, #tpu.memory_space<hbm>>
        tpu.enqueue_indirect_dma source(%dma_start3A_189 : memref<10000x128xf32, #tpu.memory_space<hbm>>) target(%arg17 : memref<80x128xf32, #tpu.memory_space<vmem>>) offsets(%arg9 : memref<80xi32, #tpu.memory_space<vmem>>) semaphore(%arg21 : memref<!tpu.dma_semaphore, #tpu.memory_space<semaphore_mem>>)
      } else {
      }
      %scan3A_180 = arith.constant 0 : i32
      scf.yield %scan3A_180 : i32
    }
    %scan3A_76 = arith.constant 31 : i32
    %dma_wait3A_77 = arith.constant 0 : i32
    %dma_wait3A_78 = arith.constant 0 : i32
    %dma_wait3A_79 = tpu.memref_slice %arg2[%dma_wait3A_77, %dma_wait3A_78] : memref<10000x128xf32, #tpu.memory_space<hbm>> -> memref<10000x128xf32, #tpu.memory_space<hbm>>
    tpu.wait_indirect_dma semaphore(%arg19 : memref<!tpu.dma_semaphore, #tpu.memory_space<semaphore_mem>>) src(%dma_wait3A_79 : memref<10000x128xf32, #tpu.memory_space<hbm>>) dst(%arg15 : memref<80x128xf32, #tpu.memory_space<vmem>>)
    "tpu.region"() ({
      %run_scoped3A = tpu.sem_alloc : memref<!tpu.dma_semaphore, #tpu.memory_space<semaphore_mem>>
      %dma_start3A_88 = arith.constant 0 : i32
      %dma_start3A_89 = arith.constant 0 : i32
      %dma_start3A_90 = tpu.memref_slice %arg27[%dma_start3A_88, %dma_start3A_89] : memref<10240x128xf32, #tpu.memory_space<vmem_shared>> -> memref<10240x128xf32, #tpu.memory_space<vmem_shared>>
      tpu.enqueue_indirect_dma source(%arg15 : memref<80x128xf32, #tpu.memory_space<vmem>>) target(%dma_start3A_90 : memref<10240x128xf32, #tpu.memory_space<vmem_shared>>) offsets(%arg11 : memref<80xi32, #tpu.memory_space<vmem>>) semaphore(%run_scoped3A : memref<!tpu.dma_semaphore, #tpu.memory_space<semaphore_mem>>) {add = true}
      %dma_wait3A_91 = arith.constant 0 : i32
      %dma_wait3A_92 = arith.constant 0 : i32
      %dma_wait3A_93 = tpu.memref_slice %arg27[%dma_wait3A_91, %dma_wait3A_92] : memref<10240x128xf32, #tpu.memory_space<vmem_shared>> -> memref<10240x128xf32, #tpu.memory_space<vmem_shared>>
      tpu.wait_indirect_dma semaphore(%run_scoped3A : memref<!tpu.dma_semaphore, #tpu.memory_space<semaphore_mem>>) src(%arg15 : memref<80x128xf32, #tpu.memory_space<vmem>>) dst(%dma_wait3A_93 : memref<10240x128xf32, #tpu.memory_space<vmem_shared>>)
      tpu.yield
    }) : () -> ()
    %barrier3A_80 = arith.constant 0 : index
    tpu.barrier barrier_id(%barrier3A_80)
    %eq3A = arith.constant 0 : i32
    %eq3A_81 = arith.cmpi eq, %arg0, %eq3A : i32
    %convert_element_type3A = arith.extui %eq3A_81 : i1 to i32
    %cond3A = arith.constant 0 : i32
    %cond3A_82 = arith.cmpi ne, %convert_element_type3A, %cond3A : i32
    scf.if %cond3A_82 {
      "tpu.region"() ({
        %run_scoped3A = tpu.sem_alloc : memref<!tpu.dma_semaphore, #tpu.memory_space<semaphore_mem>>
        %dma_start3A_88 = arith.constant 0 : i32
        %dma_start3A_89 = tpu.memref_slice %arg5[%mul3A_6, %dma_start3A_88] : memref<10240x128xf32, #tpu.memory_space<hbm>> -> memref<640x128xf32, #tpu.memory_space<hbm>>
        %dma_start3A_90 = arith.constant 0 : i32
        %dma_start3A_91 = tpu.memref_slice %arg27[%mul3A_6, %dma_start3A_90] : memref<10240x128xf32, #tpu.memory_space<vmem_shared>> -> memref<640x128xf32, #tpu.memory_space<vmem_shared>>
        tpu.enqueue_dma source(%dma_start3A_91 : memref<640x128xf32, #tpu.memory_space<vmem_shared>>) target(%dma_start3A_89 : memref<640x128xf32, #tpu.memory_space<hbm>>) target_semaphore(%run_scoped3A : memref<!tpu.dma_semaphore, #tpu.memory_space<semaphore_mem>>)
        %dma_wait3A_92 = arith.constant 0 : i32
        %dma_wait3A_93 = tpu.memref_slice %arg5[%mul3A_6, %dma_wait3A_92] : memref<10240x128xf32, #tpu.memory_space<hbm>> -> memref<640x128xf32, #tpu.memory_space<hbm>>
        %dma_wait3A_94 = arith.constant 0 : i32
        %dma_wait3A_95 = tpu.memref_slice %arg27[%mul3A_6, %dma_wait3A_94] : memref<10240x128xf32, #tpu.memory_space<vmem_shared>> -> memref<640x128xf32, #tpu.memory_space<vmem_shared>>
        tpu.wait_dma2 semaphore(%run_scoped3A : memref<!tpu.dma_semaphore, #tpu.memory_space<semaphore_mem>>) src(%dma_wait3A_95 : memref<640x128xf32, #tpu.memory_space<vmem_shared>>) dst(%dma_wait3A_93 : memref<640x128xf32, #tpu.memory_space<hbm>>)
        tpu.yield
      }) : () -> ()
    } else {
    }
    %eq3A_83 = arith.constant 1 : i32
    %eq3A_84 = arith.cmpi eq, %arg0, %eq3A_83 : i32
    %convert_element_type3A_85 = arith.extui %eq3A_84 : i1 to i32
    %cond3A_86 = arith.constant 0 : i32
    %cond3A_87 = arith.cmpi ne, %convert_element_type3A_85, %cond3A_86 : i32
    scf.if %cond3A_87 {
      "tpu.region"() ({
        %run_scoped3A = tpu.sem_alloc : memref<!tpu.dma_semaphore, #tpu.memory_space<semaphore_mem>>
        %dma_start3A_88 = arith.constant 0 : i32
        %dma_start3A_89 = tpu.memref_slice %arg6[%mul3A_6, %dma_start3A_88] : memref<10240x128xf32, #tpu.memory_space<hbm>> -> memref<640x128xf32, #tpu.memory_space<hbm>>
        %dma_start3A_90 = arith.constant 0 : i32
        %dma_start3A_91 = tpu.memref_slice %arg27[%mul3A_6, %dma_start3A_90] : memref<10240x128xf32, #tpu.memory_space<vmem_shared>> -> memref<640x128xf32, #tpu.memory_space<vmem_shared>>
        tpu.enqueue_dma source(%dma_start3A_91 : memref<640x128xf32, #tpu.memory_space<vmem_shared>>) target(%dma_start3A_89 : memref<640x128xf32, #tpu.memory_space<hbm>>) target_semaphore(%run_scoped3A : memref<!tpu.dma_semaphore, #tpu.memory_space<semaphore_mem>>)
        %dma_wait3A_92 = arith.constant 0 : i32
        %dma_wait3A_93 = tpu.memref_slice %arg6[%mul3A_6, %dma_wait3A_92] : memref<10240x128xf32, #tpu.memory_space<hbm>> -> memref<640x128xf32, #tpu.memory_space<hbm>>
        %dma_wait3A_94 = arith.constant 0 : i32
        %dma_wait3A_95 = tpu.memref_slice %arg27[%mul3A_6, %dma_wait3A_94] : memref<10240x128xf32, #tpu.memory_space<vmem_shared>> -> memref<640x128xf32, #tpu.memory_space<vmem_shared>>
        tpu.wait_dma2 semaphore(%run_scoped3A : memref<!tpu.dma_semaphore, #tpu.memory_space<semaphore_mem>>) src(%dma_wait3A_95 : memref<640x128xf32, #tpu.memory_space<vmem_shared>>) dst(%dma_wait3A_93 : memref<640x128xf32, #tpu.memory_space<hbm>>)
        tpu.yield
      }) : () -> ()
    } else {
    }
    return
  }
}

module attributes {stable_mosaic.version = 14 : i64} {
  func.func @body(%arg0: i32, %arg1: memref<5000x128xf32, #tpu.memory_space<vmem>>, %arg2: memref<5000x1xf32, #tpu.memory_space<vmem>>, %arg3: memref<5000x1xf32, #tpu.memory_space<vmem>>, %arg4: memref<5000x128xf32, #tpu.memory_space<vmem>>) attributes {dimension_semantics = [#tpu.dimension_semantics<arbitrary>], iteration_bounds = array<i64: 2>, scalar_prefetch = 0 : i64, scratch_operands = 0 : i64, tpu.core_type = #tpu.core_type<tc>, window_params = [{transform_indices = @transform_0, window_bounds = array<i64: 5000, 128>}, {transform_indices = @transform_1, window_bounds = array<i64: 5000, 1>}, {transform_indices = @transform_2, window_bounds = array<i64: 5000, 1>}, {transform_indices = @transform_3, window_bounds = array<i64: 5000, 128>}]} {
    %get3A = arith.constant 0 : index
    %get3A_0 = arith.constant 0 : index
    %get3A_1 = vector.load %arg2[%get3A, %get3A_0] : memref<5000x1xf32, #tpu.memory_space<vmem>>, vector<5000x1xf32>
    %get3A_2 = arith.constant 0 : index
    %get3A_3 = arith.constant 0 : index
    %get3A_4 = vector.load %arg3[%get3A_2, %get3A_3] : memref<5000x1xf32, #tpu.memory_space<vmem>>, vector<5000x1xf32>
    %add3A = arith.addf %get3A_1, %get3A_4 : vector<5000x1xf32>
    %add3A_5 = arith.constant 1.000000e+00 : f32
    %add3A_6 = vector.broadcast %add3A_5 : f32 to vector<5000x1xf32>
    %add3A_7 = arith.addf %add3A, %add3A_6 : vector<5000x1xf32>
    %sqrt3A = math.sqrt %add3A_7 : vector<5000x1xf32>
    %div3A = arith.constant 1.000000e+00 : f32
    %div3A_8 = vector.broadcast %div3A : f32 to vector<5000x1xf32>
    %div3A_9 = arith.divf %div3A_8, %sqrt3A : vector<5000x1xf32>
    %get3A_10 = arith.constant 0 : index
    %get3A_11 = arith.constant 0 : index
    %get3A_12 = vector.load %arg1[%get3A_10, %get3A_11] : memref<5000x128xf32, #tpu.memory_space<vmem>>, vector<5000x128xf32>
    %mul3A = vector.broadcast %div3A_9 : vector<5000x1xf32> to vector<5000x128xf32>
    %mul3A_13 = arith.mulf %get3A_12, %mul3A : vector<5000x128xf32>
    %swap3A = arith.constant 0 : index
    %swap3A_14 = arith.constant 0 : index
    %swap3A_15 = vector.load %arg4[%swap3A, %swap3A_14] : memref<5000x128xf32, #tpu.memory_space<vmem>>, vector<5000x128xf32>
    tpu.vector_store %arg4[%swap3A, %swap3A_14], %mul3A_13 {strides = array<i32>} : memref<5000x128xf32, #tpu.memory_space<vmem>>, vector<5000x128xf32>,
    return
  }
  func.func @transform_0(%arg0: i32) -> (i32, i32) {
    %c0_i32 = arith.constant 0 : i32
    %c0_i32_0 = arith.constant 0 : i32
    return %arg0, %c0_i32 : i32, i32
  }
  func.func @transform_1(%arg0: i32) -> (i32, i32) {
    %c0_i32 = arith.constant 0 : i32
    %c0_i32_0 = arith.constant 0 : i32
    return %arg0, %c0_i32 : i32, i32
  }
  func.func @transform_2(%arg0: i32) -> (i32, i32) {
    %c0_i32 = arith.constant 0 : i32
    %c0_i32_0 = arith.constant 0 : i32
    return %arg0, %c0_i32 : i32, i32
  }
  func.func @transform_3(%arg0: i32) -> (i32, i32) {
    %c0_i32 = arith.constant 0 : i32
    %c0_i32_0 = arith.constant 0 : i32
    return %arg0, %c0_i32 : i32, i32
  }
}

module attributes {stable_mosaic.version = 14 : i64} {
  func.func @body(%arg0: i32, %arg1: memref<5000x128xf32, #tpu.memory_space<vmem>>, %arg2: memref<5000x128xf32, #tpu.memory_space<vmem>>, %arg3: memref<5000x128xf32, #tpu.memory_space<vmem>>, %arg4: memref<5000x1xf32, #tpu.memory_space<vmem>>, %arg5: memref<5000x1xf32, #tpu.memory_space<vmem>>, %arg6: memref<128x128xf32, #tpu.memory_space<vmem>>, %arg7: memref<1x128xf32, #tpu.memory_space<vmem>>, %arg8: memref<1x128xf32, #tpu.memory_space<vmem>>, %arg9: memref<1x128xf32, #tpu.memory_space<vmem>>, %arg10: memref<5000x128xf32, #tpu.memory_space<vmem>>) attributes {dimension_semantics = [#tpu.dimension_semantics<arbitrary>], iteration_bounds = array<i64: 2>, scalar_prefetch = 0 : i64, scratch_operands = 0 : i64, tpu.core_type = #tpu.core_type<tc>, window_params = [{transform_indices = @transform_0, window_bounds = array<i64: 5000, 128>}, {transform_indices = @transform_1, window_bounds = array<i64: 5000, 128>}, {transform_indices = @transform_2, window_bounds = array<i64: 5000, 128>}, {transform_indices = @transform_3, window_bounds = array<i64: 5000, 1>}, {transform_indices = @transform_4, window_bounds = array<i64: 5000, 1>}, {pipeline_mode = #tpu.pipeline_mode<synchronous>, transform_indices = @transform_5, window_bounds = array<i64: 128, 128>}, {pipeline_mode = #tpu.pipeline_mode<synchronous>, transform_indices = @transform_6, window_bounds = array<i64: 1, 128>}, {pipeline_mode = #tpu.pipeline_mode<synchronous>, transform_indices = @transform_7, window_bounds = array<i64: 1, 128>}, {pipeline_mode = #tpu.pipeline_mode<synchronous>, transform_indices = @transform_8, window_bounds = array<i64: 1, 128>}, {transform_indices = @transform_9, window_bounds = array<i64: 5000, 128>}]} {
    %get3A = arith.constant 0 : index
    %get3A_0 = arith.constant 0 : index
    %get3A_1 = vector.load %arg4[%get3A, %get3A_0] : memref<5000x1xf32, #tpu.memory_space<vmem>>, vector<5000x1xf32>
    %get3A_2 = arith.constant 0 : index
    %get3A_3 = arith.constant 0 : index
    %get3A_4 = vector.load %arg5[%get3A_2, %get3A_3] : memref<5000x1xf32, #tpu.memory_space<vmem>>, vector<5000x1xf32>
    %add3A = arith.addf %get3A_1, %get3A_4 : vector<5000x1xf32>
    %add3A_5 = arith.constant 1.000000e+00 : f32
    %add3A_6 = vector.broadcast %add3A_5 : f32 to vector<5000x1xf32>
    %add3A_7 = arith.addf %add3A, %add3A_6 : vector<5000x1xf32>
    %sqrt3A = math.sqrt %add3A_7 : vector<5000x1xf32>
    %div3A = arith.constant 1.000000e+00 : f32
    %div3A_8 = vector.broadcast %div3A : f32 to vector<5000x1xf32>
    %div3A_9 = arith.divf %div3A_8, %sqrt3A : vector<5000x1xf32>
    %get3A_10 = arith.constant 0 : index
    %get3A_11 = arith.constant 0 : index
    %get3A_12 = vector.load %arg1[%get3A_10, %get3A_11] : memref<5000x128xf32, #tpu.memory_space<vmem>>, vector<5000x128xf32>
    %get3A_13 = arith.constant 0 : index
    %get3A_14 = arith.constant 0 : index
    %get3A_15 = vector.load %arg2[%get3A_13, %get3A_14] : memref<5000x128xf32, #tpu.memory_space<vmem>>, vector<5000x128xf32>
    %add3A_16 = arith.addf %get3A_12, %get3A_15 : vector<5000x128xf32>
    %mul3A = vector.broadcast %div3A_9 : vector<5000x1xf32> to vector<5000x128xf32>
    %mul3A_17 = arith.mulf %add3A_16, %mul3A : vector<5000x128xf32>
    %get3A_18 = arith.constant 0 : index
    %get3A_19 = arith.constant 0 : index
    %get3A_20 = vector.load %arg3[%get3A_18, %get3A_19] : memref<5000x128xf32, #tpu.memory_space<vmem>>, vector<5000x128xf32>
    %add3A_21 = arith.addf %mul3A_17, %get3A_20 : vector<5000x128xf32>
    %get3A_22 = arith.constant 0 : index
    %get3A_23 = arith.constant 0 : index
    %get3A_24 = vector.load %arg6[%get3A_22, %get3A_23] : memref<128x128xf32, #tpu.memory_space<vmem>>, vector<128x128xf32>
    %dot_general3A = arith.constant dense<0.000000e+00> : vector<5000x128xf32>
    %dot_general3A_25 = tpu.matmul %add3A_21, %get3A_24, %dot_general3A {dimension_numbers = #tpu.dot_dimension_numbers<[1], [1], [0], [0], [0, 0, 1, 0], [], []>, transpose_lhs_hint = false} : vector<5000x128xf32>, vector<128x128xf32>, vector<5000x128xf32> -> vector<5000x128xf32>
    %get3A_26 = arith.constant 0 : index
    %get3A_27 = arith.constant 0 : index
    %get3A_28 = vector.load %arg7[%get3A_26, %get3A_27] : memref<1x128xf32, #tpu.memory_space<vmem>>, vector<1x128xf32>
    %add3A_29 = vector.broadcast %get3A_28 : vector<1x128xf32> to vector<5000x128xf32>
    %add3A_30 = arith.addf %dot_general3A_25, %add3A_29 : vector<5000x128xf32>
    %mul3A_31 = arith.constant 5.000000e-01 : f32
    %mul3A_32 = vector.broadcast %mul3A_31 : f32 to vector<5000x128xf32>
    %mul3A_33 = arith.mulf %mul3A_32, %add3A_30 : vector<5000x128xf32>
    %mul3A_34 = arith.constant 0.707106769 : f32
    %mul3A_35 = vector.broadcast %mul3A_34 : f32 to vector<5000x128xf32>
    %mul3A_36 = arith.mulf %add3A_30, %mul3A_35 : vector<5000x128xf32>
    %erf3A = math.erf %mul3A_36 : vector<5000x128xf32>
    %add3A_37 = arith.constant 1.000000e+00 : f32
    %add3A_38 = vector.broadcast %add3A_37 : f32 to vector<5000x128xf32>
    %add3A_39 = arith.addf %add3A_38, %erf3A : vector<5000x128xf32>
    %mul3A_40 = arith.mulf %mul3A_33, %add3A_39 : vector<5000x128xf32>
    %reduce_sum3A = arith.constant dense<0.000000e+00> : vector<5000xf32>
    %reduce_sum3A_41 = vector.multi_reduction <add>, %mul3A_40, %reduce_sum3A [1] : vector<5000x128xf32> to vector<5000xf32>
    %broadcast_in_dim3A = vector.shape_cast %reduce_sum3A_41 : vector<5000xf32> to vector<5000x1xf32>
    %div3A_42 = arith.constant 1.280000e+02 : f32
    %div3A_43 = vector.broadcast %div3A_42 : f32 to vector<5000x1xf32>
    %div3A_44 = arith.divf %broadcast_in_dim3A, %div3A_43 : vector<5000x1xf32>
    %sub3A = vector.broadcast %div3A_44 : vector<5000x1xf32> to vector<5000x128xf32>
    %sub3A_45 = arith.subf %mul3A_40, %sub3A : vector<5000x128xf32>
    %mul3A_46 = arith.mulf %sub3A_45, %sub3A_45 : vector<5000x128xf32>
    %reduce_sum3A_47 = arith.constant dense<0.000000e+00> : vector<5000xf32>
    %reduce_sum3A_48 = vector.multi_reduction <add>, %mul3A_46, %reduce_sum3A_47 [1] : vector<5000x128xf32> to vector<5000xf32>
    %broadcast_in_dim3A_49 = vector.shape_cast %reduce_sum3A_48 : vector<5000xf32> to vector<5000x1xf32>
    %div3A_50 = arith.constant 1.280000e+02 : f32
    %div3A_51 = vector.broadcast %div3A_50 : f32 to vector<5000x1xf32>
    %div3A_52 = arith.divf %broadcast_in_dim3A_49, %div3A_51 : vector<5000x1xf32>
    %add3A_53 = arith.constant 9.99999974E-6 : f32
    %add3A_54 = vector.broadcast %add3A_53 : f32 to vector<5000x1xf32>
    %add3A_55 = arith.addf %div3A_52, %add3A_54 : vector<5000x1xf32>
    %sqrt3A_56 = math.sqrt %add3A_55 : vector<5000x1xf32>
    %div3A_57 = vector.broadcast %sqrt3A_56 : vector<5000x1xf32> to vector<5000x128xf32>
    %div3A_58 = arith.divf %sub3A_45, %div3A_57 : vector<5000x128xf32>
    %get3A_59 = arith.constant 0 : index
    %get3A_60 = arith.constant 0 : index
    %get3A_61 = vector.load %arg8[%get3A_59, %get3A_60] : memref<1x128xf32, #tpu.memory_space<vmem>>, vector<1x128xf32>
    %mul3A_62 = vector.broadcast %get3A_61 : vector<1x128xf32> to vector<5000x128xf32>
    %mul3A_63 = arith.mulf %div3A_58, %mul3A_62 : vector<5000x128xf32>
    %get3A_64 = arith.constant 0 : index
    %get3A_65 = arith.constant 0 : index
    %get3A_66 = vector.load %arg9[%get3A_64, %get3A_65] : memref<1x128xf32, #tpu.memory_space<vmem>>, vector<1x128xf32>
    %add3A_67 = vector.broadcast %get3A_66 : vector<1x128xf32> to vector<5000x128xf32>
    %add3A_68 = arith.addf %mul3A_63, %add3A_67 : vector<5000x128xf32>
    %swap3A = arith.constant 0 : index
    %swap3A_69 = arith.constant 0 : index
    %swap3A_70 = vector.load %arg10[%swap3A, %swap3A_69] : memref<5000x128xf32, #tpu.memory_space<vmem>>, vector<5000x128xf32>
    tpu.vector_store %arg10[%swap3A, %swap3A_69], %add3A_68 {strides = array<i32>} : memref<5000x128xf32, #tpu.memory_space<vmem>>, vector<5000x128xf32>,
    return
  }
  func.func @transform_0(%arg0: i32) -> (i32, i32) {
    %c0_i32 = arith.constant 0 : i32
    %c0_i32_0 = arith.constant 0 : i32
    return %arg0, %c0_i32 : i32, i32
  }
  func.func @transform_1(%arg0: i32) -> (i32, i32) {
    %c0_i32 = arith.constant 0 : i32
    %c0_i32_0 = arith.constant 0 : i32
    return %arg0, %c0_i32 : i32, i32
  }
  func.func @transform_2(%arg0: i32) -> (i32, i32) {
    %c0_i32 = arith.constant 0 : i32
    %c0_i32_0 = arith.constant 0 : i32
    return %arg0, %c0_i32 : i32, i32
  }
  func.func @transform_3(%arg0: i32) -> (i32, i32) {
    %c0_i32 = arith.constant 0 : i32
    %c0_i32_0 = arith.constant 0 : i32
    return %arg0, %c0_i32 : i32, i32
  }
  func.func @transform_4(%arg0: i32) -> (i32, i32) {
    %c0_i32 = arith.constant 0 : i32
    %c0_i32_0 = arith.constant 0 : i32
    return %arg0, %c0_i32 : i32, i32
  }
  func.func @transform_5(%arg0: i32) -> (i32, i32) {
    %c0_i32 = arith.constant 0 : i32
    %c0_i32_0 = arith.constant 0 : i32
    %c0_i32_1 = arith.constant 0 : i32
    return %c0_i32, %c0_i32_0 : i32, i32
  }
  func.func @transform_6(%arg0: i32) -> (i32, i32) {
    %c0_i32 = arith.constant 0 : i32
    %c0_i32_0 = arith.constant 0 : i32
    %c0_i32_1 = arith.constant 0 : i32
    return %c0_i32, %c0_i32_0 : i32, i32
  }
  func.func @transform_7(%arg0: i32) -> (i32, i32) {
    %c0_i32 = arith.constant 0 : i32
    %c0_i32_0 = arith.constant 0 : i32
    %c0_i32_1 = arith.constant 0 : i32
    return %c0_i32, %c0_i32_0 : i32, i32
  }
  func.func @transform_8(%arg0: i32) -> (i32, i32) {
    %c0_i32 = arith.constant 0 : i32
    %c0_i32_0 = arith.constant 0 : i32
    %c0_i32_1 = arith.constant 0 : i32
    return %c0_i32, %c0_i32_0 : i32, i32
  }
  func.func @transform_9(%arg0: i32) -> (i32, i32) {
    %c0_i32 = arith.constant 0 : i32
    %c0_i32_0 = arith.constant 0 : i32
    return %arg0, %c0_i32 : i32, i32
  }
}

</mosaic_0001>

<sc_bundles>
// kernel: kernel.6.cloned.1.call-start
scs
__scs_entry_jumppad:
0x0: {  	(pc) =	sbr.rel $0x88, $3  }
0x1: {  	(tag) =	ssettag $0x0;
	lr =	simm.s32 $0x1  }
0x2: {  	[smem:$0x3F9B] =	sst lr;
	_ =	strace $0xD0000000  }
0x3: {  	_ = 	snop  }
0x4: {  	_ = 	snop  }
0x5: {  	_ = 	snop  }
0x6: {  	_ = 	snop  }
0x7: {  	_ = 	snop  }
__scs_overlays_trampoline_lowered:
0x8: {  	[smem:$0x3FAA] =	sst s0  }
0x9: {  	[smem:$0x3FAB] =	sst s1  }
0xa: {  	[smem:$0x3FAC] =	sst s2  }
0xb: {  	[smem:$0x3FAD] =	sst s3  }
0xc: {  	[smem:$0x3FAE] =	sst s4  }
0xd: {  	[smem:$0x3FAF] =	sst s5  }
0xe: {  	[smem:$0x3FB0] =	sst s6  }
0xf: {  	[smem:$0x3FB1] =	sst s7  }
0x10: {  	[smem:$0x3FB2] =	sst s8  }
0x11: {  	[smem:$0x3FB3] =	sst s9;
	s0 =	simm.s32 @!p0 $0x0  }
0x12: {  	s1 =	sld [smem:$0x3F99];
	s0 =	simm.s32 @p0 $0x1  }
0x13: {  	[smem:$0x3FB4] =	sst s0;
	s0 =	simm.s32 @!p1 $0x0  }
0x14: {  	s2 =	sld [smem:$0x3F98];
	s0 =	simm.s32 @p1 $0x1  }
0x15: {  	[smem:$0x3FB5] =	sst s0;
	s0 =	simm.s32 @!p2 $0x0  }
0x16: {  	s3 =	sld [smem:$0x3FDB];
	s0 =	simm.s32 @p2 $0x1  }
0x17: {  	s4 =	simm.s32 $0x1BF5;
	[smem:$0x3FB7] =	sst s0  }
0x18: {  	s0 =	sld [smem:$0x3F9A];
	_ =	swait.ge [sflag:s4], $0x0  }
0x19: {  	s7 =	sld [smem:$0x3F9B]  }
0x1a: {  	s8 =	sadd.s32 $0xFFFFE003, lr  }
0x1b: {  	s9 =	sadd.s32 $0xFFFFFEF7, lr;
	s5 =	simm.s32 $0xFFFFFFFF;
	p2 =	slt.u32 s8, $0xFFFFF086  }
0x1c: {  	p1 =	slt.u32 s9, $0xF7A;
	s5 =	simm.s32 @!p2 $0x0  }
0x1d: {  	s5 =	simm.s32 @p1 $0x1;
	p0 =	seq.s32 s7, s2  }
0x1e: {  	s7 =	smul.u32 @!p0 $0xF7A, s2;
	p2 =	seq.s32 @!p0 s5, $0x0  }
0x1f: {  	s9 =	smul.u32 $0xF7A, s1;
	s8 =	simm.s32 @!p0 $0x1BF5;
	p2 =	por !p2, p0  }
0x20: {  	[sflag:s8] =	ssyncset.s32 @!p0 $0xFFFFF086;
	s6 =	sadd.s32 @!p0 s3, s7;
	s7 =	simm.s32 @!p0 $0x108  }
0x21: {  	s3 =	sadd.s32 s3, s9;
	s6 =	sadd.s32 @!p0 $0x88, s6;
	s7 =	simm.s32 @p2 $0x1082  }
0x22: {  	[simem:s7], [sflag:s8] =	dma.local @!p0 [hbm:s6], $0xF7A  }
0x23: {  	s9 =	sor.u32 $0xD0000000, s2;
	s6 =	simm.s32 $0x108;
	_ =	swait.ge @!p0 [sflag:s8], $0x0  }
0x24: {  	s3 =	sadd.s32 $0x88, s3;
	s6 =	simm.s32 @!p1 $0x1082;
	[sflag:s4] =	ssyncset.s32 $0xFFFFF086  }
0x25: {  	[simem:s6], [sflag:s4] =	dma.local [hbm:s3], $0xF7A  }
0x26: {  	[smem:$0x3F9B] =	sst s1;
	(tag) =	ssettag s2;
	_ =	strace s9  }
0x27: {  	s1 =	sld [smem:$0x3FAB]  }
0x28: {  	s2 =	sld [smem:$0x3FAC]  }
0x29: {  	s4 =	sld [smem:$0x3FAE]  }
0x2a: {  	p0 =	seq.s32 s5, $0x0;
	s5 =	sld [smem:$0x3FAF]  }
0x2b: {  	s6 =	sld [smem:$0x3FB0]  }
0x2c: {  	s7 =	sld [smem:$0x3FB1]  }
0x2d: {  	s3 =	simm.s32 $0x108;
	s8 =	sld [smem:$0x3FB2]  }
0x2e: {  	s3 =	simm.s32 @!p0 $0x1082;
	s9 =	sld [smem:$0x3FB3]  }
0x2f: {  	lr =	sadd.s32 s0, s3;
	s0 =	sld [smem:$0x3FAA]  }
0x30: {  	s3 =	sld [smem:$0x3FAD]  }
0x31: {  	[smem:$0x3FB6] =	sst s10  }
0x32: {  	s10 =	sld [smem:$0x3FB4];
	_ =	sdelay $0x3  }
0x33: {  	p0 =	seq.s32 s10, $0x1;
	s10 =	sld [smem:$0x3FB6];
	_ =	sdelay $0x3  }
0x34: {  	[smem:$0x3FB6] =	sst s10  }
0x35: {  	s10 =	sld [smem:$0x3FB5];
	_ =	sdelay $0x3  }
0x36: {  	p1 =	seq.s32 s10, $0x1;
	s10 =	sld [smem:$0x3FB6];
	_ =	sdelay $0x3  }
0x37: {  	[smem:$0x3FB6] =	sst s10  }
0x38: {  	s10 =	sld [smem:$0x3FB7]  }
0x39: {  	_ = 	snop;
	(pc) =	sbr.ind lr, $3  }
0x3a: {  	_ = 	snop  }
0x3b: {  	_ = 	snop  }
0x3c: {  	p2 =	seq.s32 s10, $0x1;
	s10 =	sld [smem:$0x3FB6]  }
0x3d: {  	_ =	shalt  }
0x3e: {  	_ =	shalt  }
0x3f: {  	_ =	shalt  }
0x40: {  	_ =	shalt  }
0x41: {  	_ =	shalt  }
0x42: {  	_ =	shalt  }
0x43: {  	_ =	shalt  }
0x44: {  	_ =	shalt  }
0x45: {  	_ =	shalt  }
0x46: {  	_ =	shalt  }
0x47: {  	_ =	shalt  }
0x48: {  	_ =	shalt  }
0x49: {  	_ =	shalt  }
0x4a: {  	_ =	shalt  }
0x4b: {  	_ =	shalt  }
0x4c: {  	_ =	shalt  }
0x4d: {  	_ =	shalt  }
0x4e: {  	_ =	shalt  }
0x4f: {  	_ =	shalt  }
0x50: {  	_ =	shalt  }
0x51: {  	_ =	shalt  }
0x52: {  	_ =	shalt  }
0x53: {  	_ =	shalt  }
0x54: {  	_ =	shalt  }
0x55: {  	_ =	shalt  }
0x56: {  	_ =	shalt  }
0x57: {  	_ =	shalt  }
0x58: {  	_ =	shalt  }
0x59: {  	_ =	shalt  }
0x5a: {  	_ =	shalt  }
0x5b: {  	_ =	shalt  }
0x5c: {  	_ =	shalt  }
0x5d: {  	_ =	shalt  }
0x5e: {  	_ =	shalt  }
0x5f: {  	_ =	shalt  }
0x60: {  	_ =	shalt  }
0x61: {  	_ =	shalt  }
0x62: {  	_ =	shalt  }
0x63: {  	_ =	shalt  }
0x64: {  	_ =	shalt  }
0x65: {  	_ =	shalt  }
0x66: {  	_ =	shalt  }
0x67: {  	_ =	shalt  }
0x68: {  	_ =	shalt  }
0x69: {  	_ =	shalt  }
0x6a: {  	_ =	shalt  }
0x6b: {  	_ =	shalt  }
0x6c: {  	_ =	shalt  }
0x6d: {  	_ =	shalt  }
0x6e: {  	_ =	shalt  }
0x6f: {  	_ =	shalt  }
0x70: {  	_ =	shalt  }
0x71: {  	_ =	shalt  }
0x72: {  	_ =	shalt  }
0x73: {  	_ =	shalt  }
0x74: {  	_ =	shalt  }
0x75: {  	_ =	shalt  }
0x76: {  	_ =	shalt  }
0x77: {  	_ =	shalt  }
0x78: {  	_ =	shalt  }
0x79: {  	_ =	shalt  }
0x7a: {  	_ =	shalt  }
0x7b: {  	_ =	shalt  }
0x7c: {  	_ =	shalt  }
0x7d: {  	_ =	shalt  }
0x7e: {  	_ =	shalt  }
0x7f: {  	_ =	shalt  }
0x80: {  	_ =	shalt  }
0x81: {  	_ =	shalt  }
0x82: {  	_ =	shalt  }
0x83: {  	_ =	shalt  }
0x84: {  	_ =	shalt  }
0x85: {  	_ =	shalt  }
0x86: {  	_ =	shalt  }
0x87: {  	_ =	shalt  }
.Lfunc_end0:
.L_simem_size_0:
called_computation_lowered:
.L_overlay_start_0:
0x88: {  	s2 =	sld [smem:$0x3FD9]  }
0x89: {  	s3 =	sld [smem:$0x3FFE];
	_ =	sdelay $0x1  }
0x8a: {  	s1 =	srdreg.scid  }
0x8b: {  	s0 =	sand.u32 $0x1, s1  }
0x8c: {  	s17 =	sshll.u32 s0, $0xA;
	s2 =	sadd.s32 s3, s2  }
0x8d: {  	s2 =	sadd.s32 s2, s17  }
0x8e: {  	[smem:$0x3FC2] =	sst s2  }
0x8f: {  	_ = 	snop  }
0x90: {  	s2 =	sld [smem:$0x3FD0];
	(tm) =	ssettm $0x1  }
0x91: {  	s18 =	sld [smem:$0x3FFB];
	_ =	sdelay $0x3  }
0x92: {  	_ =	strace s18  }
0x93: {  	s3 =	sld [smem:$0x3FFC];
	_ =	sdelay $0x3  }
0x94: {  	_ =	strace s3  }
0x95: {  	s3 =	sld [smem:$0x3FFD];
	_ =	sdelay $0x3  }
0x96: {  	_ =	strace s3  }
0x97: {  	_ =	strace $0x8FFFFFFF  }
0x98: {  	s19 =	sld [smem:$0x3FDB];
	_ =	sdelay $0x1  }
0x99: {  	s4 =	simm.s32 $_scs_section_size  }
0x9a: {  	s5 =	simm.s32 $_size__tile_overlayer_lowered;
	s6 =	simm.s32 $_tile_overlayer_lowered  }
0x9b: {  	s22 =	simm.s32 $0x1BFF;
	s21 =	sshll.u32 s6, $0x1;
	s3 =	sadd.s32 s4, s19  }
0x9c: {  	s7 =	simm.s32 $0x0;
	s20 =	sshll.u32 s5, $0x1;
	s5 =	sadd.s32 s21, s3  }
0x9d: {  	[timem:s7], [sflag:s22] =	dma.local [hbm:s5], s20  }
0x9e: {  	_ =	swait.ge [sflag:s22], s20  }
0x9f: {  	s4 =	ssub.s32 $0x0, s20;
	[sflag:s22] =	ssyncset.done $0x0  }
0xa0: {  	[sflag:s22] =	ssyncadd.s32 s4;
	_ =	sdelay $0x1  }
0xa1: {  	s23 =	simm.s32 $0x1B8B  }
0xa2: {  	_ =	swait.ge [sflag:s23], $0x1  }
0xa3: {  	[sflag:s23] =	ssyncset.done $0x0  }
0xa4: {  	s25 =	simm.s32 $0x1B8E;
	s24 =	sld [smem:$0x3FFE];
	[sflag:s23] =	ssyncadd.s32 $0xFFFFFFFF  }
0xa5: {  	s26 =	simm.s32 $execute0_lowered;
	[smem:$0x3FD2] =	sst s25  }
0xa6: {  	s5 =	sshll.u32 s26, $0x1;
	_ =	strace $0x80000046;
	[dreg:$0x1] =	wrdreg $0xFFFFFFFF  }
0xa7: {  	s28 =	simm.s32 $_size_execute0_lowered;
	s3 =	sadd.s32 s3, s5;
	[dreg:$0x0] =	wrdreg $0x0  }
0xa8: {  	s5 =	sshll.u32 s28, $0x1;
	[dreg:$0x2] =	wrdreg s3  }
0xa9: {  	[dreg:$0x3] =	wrdreg s5  }
0xaa: {  	[dreg:$0x4] =	wrdreg $0xC0  }
0xab: {  	_ =	task [dreg:s7], $0x5FFFF  }
0xac: {  	[dreg:$0x1] =	wrdreg $0xFFFFFFFF  }
0xad: {  	[dreg:$0x0] =	wrdreg $0x60  }
0xae: {  	[dreg:$0x2] =	wrdreg s24  }
0xaf: {  	[dreg:$0x3] =	wrdreg s2  }
0xb0: {  	[dreg:$0x4] =	wrdreg $0x5800  }
0xb1: {  	[dreg:$0x5] =	wrdreg $0x9  }
0xb2: {  	_ =	task.clear_ibuf [dreg:s7], $0x6FFFF;
	_ =	strace $0x90000046  }
0xb3: {  	s29 =	simm.s32 $0x9;
	_ =	strace $0x80000048  }
0xb4: {  	_ =	swait.ge [sflag:s29], $0x1  }
0xb5: {  	[sflag:s29] =	ssyncadd.s32 $0xFFFFFFFF  }
0xb6: {  	_ =	strace $0x90000048  }
0xb7: {  	_ =	sfence  }
0xb8: {  	s30 =	sld [smem:$0x0];
	_ =	sdelay $0x2  }
0xb9: {  	s31 =	sshll.u32 s1, $0xD;
	s1 =	sshrl.u32 s1, $0x2  }
0xba: {  	s3 =	sand.u32 $0x4000, s31;
	s1 =	sadd.s32 s1, s30  }
0xbb: {  	s0 =	sor.u32 s3, s0;
	s1 =	sshll.u32 s1, $0x11  }
0xbc: {  	s0 =	sor.u32 s1, s0  }
0xbd: {  	s0 =	sadd.s32 $0x8F2B, s0  }
0xbe: {  	[sflag:s0] =	ssyncadd.remote.s32 $0x1  }
0xbf: {  	_ =	sfence.sel $0xFFFF  }
0xc0: {  	[dreg:$0x0] =	wrdreg $0xFFFFFFFF;
	(pc) =	sbr.abs _section_cstart, $3  }
0xc1: {  	[dreg:$0x1] =	wrdreg $0xFFFFFFFF  }
0xc2: {  	_ =	task.clear_ibuf [dreg:s7], $0x2FFFF;
	_ =	strace $0x9FFFFFFF  }
0xc3: {  	(tm) =	ssettm $0x7FFFFFFF  }
tec
execute0_lowered:
.L_overlay_start_1:
0x0: {  	(tag) =	ssettag $0x1  }
0x1: {  	s0 =	rddreg [dreg:$0x0]  }
0x2: {  	s2 =	rddreg [dreg:$0x1]  }
0x3: {  	s1 =	rddreg [dreg:$0x2]  }
0x4: {  	s3 =	srdreg.scid;
	s10 =	stileid.u32  }
0x5: {  	s28 =	simm.s32 $0x5;
	s30 =	simm.s32 $0x7;
	s31 =	simm.s32 $0x8  }
0x6: {  	s7 =	sand.u32 $0x1, s3;
	s3 =	simm.s32 $0x0;
	s6 =	smul.u32 $0x2710, s10  }
0x7: {  	s4 =	sadd.s32 $0xC000, s0;
	s10 =	smul.u32 $0x280, s10;
	s0 =	sadd.s32 $0x15E00, s0  }
0x8: {  	s5 =	smul.u32 $0x27100, s7;
	[smem:$0x7FF] =	sst s3;
	s8 =	ssub.s32 $0x2, s7  }
0x9: {  	p0 =	seq.s32 s7, $0x1;
	s7 =	simm.s32 $0x0;
	_ =	strace $0x80000047  }
0xa: {  	s16 =	sshrl.u32 s8, $0x1;
	s18 =	sshrl.u32 s10, $0x3;
	s2 =	smov.u32 @p0 s0  }
0xb: {  	s9 =	sadd.s32 s6, s5;
	s8 =	ssub.s32 s8, s16;
	s2 =	sadd.s32 s2, s18  }
0xc: {  	s16 =	simm.s32 $0xB;
	s18 =	simm.s32 $0x380;
	s6 =	sshrl.u32 s9, $0x3  }
0xd: {  	s19 =	sadd.s32 $0x230, s9;
	s20 =	smax.u32 s8, $0x1;
	[dreg:$0x8] =	wrdreg s2  }
0xe: {  	s22 =	sadd.s32 $0x1E0, s9;
	s23 =	sadd.s32 $0x140, s9;
	s24 =	sadd.s32 $0xF0, s9  }
0xf: {  	s29 =	sadd.s32 $0x190, s9;
	s2 =	simm.s32 $0xA;
	s17 =	sadd.s32 s4, s6  }
0x10: {  	s6 =	sadd.s32 s10, s1;
	[dreg:$0x7] =	wrdreg s20;
	s21 =	sshrl.u32 s19, $0x3  }
0x11: {  	s0 =	sshrl.u32 s22, $0x3;
	s25 =	sshrl.u32 s23, $0x3;
	s26 =	sshrl.u32 s24, $0x3  }
0x12: {  	[dreg:$0x9] =	wrdreg s29;
	s19 =	simm.s32 $0x400;
	s20 =	simm.s32 $0x1  }
0x13: {  	s22 =	simm.s32 $0x280;
	s23 =	simm.s32 $0x480;
	s24 =	simm.s32 $0x2  }
.Ltmp0:
0x14: {  	s11 =	sadd.s32 $0xA, s17;
	[dreg:$0x4] =	wrdreg s17;
	(pc) =	sbr.rel .LBB2_1-.Ltmp0, $4  }
0x15: {  	s5 =	sadd.s32 $0x14, s17;
	s12 =	sadd.s32 s0, s4;
	s14 =	sadd.s32 s25, s4  }
0x16: {  	s15 =	sadd.s32 s26, s4;
	s17 =	simm.s32 $0x300;
	s25 =	simm.s32 $0x500  }
0x17: {  	s26 =	simm.s32 $0x3;
	s0 =	simm.s32 $0x9;
	[dreg:$0x5] =	wrdreg s11  }
0x18: {  	v0 =	vimm.f32 $0.0e+00;
	v1 =	vimm.f32 $1.000000000e+00;
	[dreg:$0x6] =	wrdreg s5;
	s11 =	sadd.s32 s21, s4;
	s21 =	simm.s32 $0x50  }
.LBB2_4:
0x19: {  	s5 =	simm.s32 $0x6  }
0x1a: {  	_ =	swait.ge [sflag:s5], $0x50  }
0x1b: {  	[sflag:s5] =	ssyncset.done $0x0  }
0x1c: {  	[sflag:s5] =	ssyncadd.s32 $0xFFFFFFB0  }
0x1d: {  	_ =	swait.ge [sflag:s30], $0x50  }
0x1e: {  	[sflag:s30] =	ssyncset.done $0x0  }
0x1f: {  	[sflag:s30] =	ssyncadd.s32 $0xFFFFFFB0  }
0x20: {  	_ =	swait.ge [sflag:s31], $0x50  }
0x21: {  	[sflag:s31] =	ssyncset.done $0x0  }
0x22: {  	[sflag:s31] =	ssyncadd.s32 $0xFFFFFFB0  }
0x23: {  	_ =	swait.ge [sflag:s0], $0x50  }
0x24: {  	[sflag:s0] =	ssyncset.done $0x0  }
0x25: {  	[sflag:s0] =	ssyncadd.s32 $0xFFFFFFB0  }
0x26: {  	_ =	swait.ge [sflag:s2], $0x50  }
0x27: {  	[sflag:s2] =	ssyncset.done $0x0  }
0x28: {  	s13 =	stileid.u32;
	[sflag:s2] =	ssyncadd.s32 $0xFFFFFFB0  }
0x29: {  	s5 =	sshll.u32 s13, $0x6;
	[bflag:$0x0] =	sbarrier.arrive $0xFFFF  }
0x2a: {  	s8 =	sshrl.u32 s6, $0x3;
	s5 =	sor.u32 $0x1C0B, s5;
	s9 =	rddreg [dreg:$0x8]  }
0x2b: {  	[hbm:s9], [sflag:s5] =	dma.local [spmem:s8], $0x50  }
0x2c: {  	_ =	swait.ge [sflag:s16], $0x50  }
0x2d: {  	s7 =	sadd.s32 $0x1, s7;
	s29 =	rddreg [dreg:$0x7]  }
0x2e: {  	p0 =	sne.s32 s7, s29  }
.Ltmp1:
0x2f: {  	_ = 	snop;
	(pc) =	sbr.rel @!p0 .LBB2_5-.Ltmp1, $3  }
0x30: {  	_ =	sdelay $0x1  }
0x31: {  	[sflag:s16] =	ssyncset.done $0x0  }
0x32: {  	[sflag:s16] =	ssyncadd.s32 $0xFFFFFFB0  }
.LBB2_1:
0x33: {  	[tilespmem:$0x0] =	vst v0  }
0x34: {  	[tilespmem:$0x10] =	vst v0  }
0x35: {  	[tilespmem:$0x20] =	vst v0  }
0x36: {  	[tilespmem:$0x30] =	vst v0  }
0x37: {  	[tilespmem:$0x40] =	vst v0  }
0x38: {  	[tilespmem:$0x50] =	vst v0  }
0x39: {  	[tilespmem:$0x60] =	vst v0  }
0x3a: {  	[tilespmem:$0x70] =	vst v0  }
0x3b: {  	[tilespmem:$0x80] =	vst v0  }
0x3c: {  	[tilespmem:$0x90] =	vst v0  }
0x3d: {  	[tilespmem:$0xA0] =	vst v0  }
0x3e: {  	[tilespmem:$0xB0] =	vst v0  }
0x3f: {  	[tilespmem:$0xC0] =	vst v0  }
0x40: {  	[tilespmem:$0xD0] =	vst v0  }
0x41: {  	[tilespmem:$0xE0] =	vst v0  }
0x42: {  	[tilespmem:$0xF0] =	vst v0  }
0x43: {  	[tilespmem:$0x100] =	vst v0  }
0x44: {  	[tilespmem:$0x110] =	vst v0  }
0x45: {  	[tilespmem:$0x120] =	vst v0  }
0x46: {  	[tilespmem:$0x130] =	vst v0  }
0x47: {  	[tilespmem:$0x140] =	vst v0  }
0x48: {  	[tilespmem:$0x150] =	vst v0  }
0x49: {  	[tilespmem:$0x160] =	vst v0  }
0x4a: {  	[tilespmem:$0x170] =	vst v0  }
0x4b: {  	[tilespmem:$0x180] =	vst v0  }
0x4c: {  	[tilespmem:$0x190] =	vst v0  }
0x4d: {  	[tilespmem:$0x1A0] =	vst v0  }
0x4e: {  	[tilespmem:$0x1B0] =	vst v0  }
0x4f: {  	[tilespmem:$0x1C0] =	vst v0  }
0x50: {  	[tilespmem:$0x1D0] =	vst v0  }
0x51: {  	[tilespmem:$0x1E0] =	vst v0  }
0x52: {  	[tilespmem:$0x1F0] =	vst v0  }
0x53: {  	[tilespmem:$0x200] =	vst v0  }
0x54: {  	[tilespmem:$0x210] =	vst v0  }
0x55: {  	[tilespmem:$0x220] =	vst v0  }
0x56: {  	[tilespmem:$0x230] =	vst v0  }
0x57: {  	[tilespmem:$0x240] =	vst v0  }
0x58: {  	[tilespmem:$0x250] =	vst v0  }
0x59: {  	[tilespmem:$0x260] =	vst v0  }
0x5a: {  	[tilespmem:$0x270] =	vst v0  }
0x5b: {  	[tilespmem:$0x280] =	vst v1  }
0x5c: {  	[tilespmem:$0x290] =	vst v1  }
0x5d: {  	[tilespmem:$0x2A0] =	vst v1  }
0x5e: {  	[tilespmem:$0x2B0] =	vst v1  }
0x5f: {  	[tilespmem:$0x2C0] =	vst v1  }
0x60: {  	[spmem:s6] =	stream.linear.scatter [tilespmem:s3], [sflag:$0xB], $0x280, $0x38;
	[tilespmem:$0x800] =	vst v63  }
0x61: {  	_ =	swait.ge [sflag:s16], $0x280  }
0x62: {  	[sflag:s16] =	ssyncset.done $0x0  }
0x63: {  	[sflag:s16] =	ssyncadd.s32 $0xFFFFFD80  }
0x64: {  	[bflag:$0x0] =	sbarrier.arrive $0xFFFF  }
0x65: {  	s5 =	rddreg [dreg:$0x4]  }
0x66: {  	s13 =	rddreg [dreg:$0x5]  }
0x67: {  	[tilespmem:s17], [sflag:$0x1] =	stream.linear.gather [hbm4b:s5+s3], $0x50, $0x38;
	[tilespmem:$0x800] =	vst v63  }
0x68: {  	s29 =	rddreg [dreg:$0x6]  }
0x69: {  	[tilespmem:s18], [sflag:$0x2] =	stream.linear.gather [hbm4b:s13+s3], $0x50, $0x38;
	[tilespmem:$0x800] =	vst v63  }
0x6a: {  	s9 =	simm.s32 $0x0;
	s13 =	rddreg [dreg:$0x9]  }
0x6b: {  	[tilespmem:s19], [sflag:$0x3] =	stream.linear.gather [hbm4b:s29+s3], $0x50, $0x38;
	[tilespmem:$0x800] =	vst v63  }
.LBB2_2:
0x6c: {  	_ =	swait.ge [sflag:s20], $0x50  }
0x6d: {  	p0 =	seq.s32 s9, $0x0;
	[sflag:s20] =	ssyncset.done $0x0  }
0x6e: {  	s10 =	simm.s32 @!p0 $0x9;
	[sflag:s20] =	ssyncadd.s32 $0xFFFFFFB0  }
0x6f: {  	[spmem:s1] =	stream.indirect.scatter.add.f32 [tilespmem:s22], [sflag:$0x6], $0x1, s17, s21, $0xb8;
	[tilespmem:$0x800] =	vst v63  }
0x70: {  	_ =	swait.ge @!p0 [sflag:s10], $0x50  }
0x71: {  	[sflag:s10] =	ssyncset.done @!p0 $0x0  }
0x72: {  	s8 =	sadd.s32 s9, s15;
	[sflag:s10] =	ssyncadd.s32 @!p0 $0xFFFFFFB0  }
0x73: {  	[tilespmem:s23], [sflag:$0x4] =	stream.linear.gather [hbm4b:s8+s3], $0x50, $0x38;
	[tilespmem:$0x800] =	vst v63  }
0x74: {  	_ =	swait.ge [sflag:s24], $0x50  }
0x75: {  	[sflag:s24] =	ssyncset.done $0x0  }
0x76: {  	s10 =	simm.s32 @!p0 $0xA;
	[sflag:s24] =	ssyncadd.s32 $0xFFFFFFB0  }
0x77: {  	[spmem:s1] =	stream.indirect.scatter.add.f32 [tilespmem:s22], [sflag:$0x7], $0x1, s18, s21, $0xb8;
	[tilespmem:$0x800] =	vst v63  }
0x78: {  	_ =	swait.ge @!p0 [sflag:s10], $0x50  }
0x79: {  	[sflag:s10] =	ssyncset.done @!p0 $0x0  }
0x7a: {  	s29 =	sadd.s32 s9, s14;
	[sflag:s10] =	ssyncadd.s32 @!p0 $0xFFFFFFB0  }
0x7b: {  	[tilespmem:s25], [sflag:$0x5] =	stream.linear.gather [hbm4b:s29+s3], $0x50, $0x38;
	[tilespmem:$0x800] =	vst v63  }
0x7c: {  	_ =	swait.ge [sflag:s26], $0x50  }
0x7d: {  	p0 =	seq.s32 s9, $0x4B0;
	[sflag:s26] =	ssyncset.done $0x0  }
0x7e: {  	s10 =	simm.s32 @p0 $0x4;
	[sflag:s26] =	ssyncadd.s32 $0xFFFFFFB0  }
0x7f: {  	[spmem:s1] =	stream.indirect.scatter.add.f32 [tilespmem:s22], [sflag:$0x8], $0x1, s19, s21, $0xb8;
	[tilespmem:$0x800] =	vst v63  }
0x80: {  	_ =	swait.ge @p0 [sflag:s10], $0x50  }
0x81: {  	s5 =	simm.s32 @p0 $0x480;
	[sflag:s10] =	ssyncset.done @p0 $0x0  }
0x82: {  	s8 =	simm.s32 @p0 $0x280;
	[sflag:s10] =	ssyncadd.s32 @p0 $0xFFFFFFB0;
	s10 =	simm.s32 @p0 $0x50  }
0x83: {  	[spmem:s1] =	stream.indirect.scatter.add.f32 @p0 [tilespmem:s8], [sflag:$0x9], $0x1, s5, s10, $0xb8;
	[tilespmem:$0x800] =	vst v63  }
0x84: {  	s5 =	simm.s32 @!p0 $0x6  }
0x85: {  	_ =	swait.ge @!p0 [sflag:s5], $0x50  }
0x86: {  	[sflag:s5] =	ssyncset.done @!p0 $0x0  }
0x87: {  	[sflag:s5] =	ssyncadd.s32 @!p0 $0xFFFFFFB0;
	s5 =	sshrl.u32 @!p0 s13, $0x3  }
0x88: {  	s8 =	simm.s32 @!p0 $0x0;
	s10 =	simm.s32 @!p0 $0x300;
	s5 =	sadd.s32 @!p0 s4, s5  }
0x89: {  	[tilespmem:s10], [sflag:$0x1] =	stream.linear.gather @!p0 [hbm4b:s5+s8], $0x50, $0x38;
	[tilespmem:$0x800] =	vst v63  }
0x8a: {  	s5 =	simm.s32 @!p0 $0x4  }
0x8b: {  	_ =	swait.ge @!p0 [sflag:s5], $0x50  }
0x8c: {  	s29 =	simm.s32 @!p0 $0x280;
	[sflag:s5] =	ssyncset.done @!p0 $0x0  }
0x8d: {  	s10 =	simm.s32 @!p0 $0x480;
	[sflag:s5] =	ssyncadd.s32 @!p0 $0xFFFFFFB0;
	s5 =	simm.s32 @!p0 $0x50  }
0x8e: {  	[spmem:s1] =	stream.indirect.scatter.add.f32 @!p0 [tilespmem:s29], [sflag:$0x9], $0x1, s10, s5, $0xb8;
	[tilespmem:$0x800] =	vst v63  }
0x8f: {  	s5 =	simm.s32 @!p0 $0x7  }
0x90: {  	_ =	swait.ge @!p0 [sflag:s5], $0x50  }
0x91: {  	[sflag:s5] =	ssyncset.done @!p0 $0x0  }
0x92: {  	s10 =	simm.s32 @!p0 $0x380;
	[sflag:s5] =	ssyncadd.s32 @!p0 $0xFFFFFFB0;
	s5 =	sadd.s32 @!p0 s9, s12  }
0x93: {  	[tilespmem:s10], [sflag:$0x2] =	stream.linear.gather @!p0 [hbm4b:s5+s8], $0x50, $0x38;
	[tilespmem:$0x800] =	vst v63  }
.Ltmp2:
0x94: {  	_ = 	snop;
	(pc) =	sbr.rel @p0 .LBB2_4-.Ltmp2, $4  }
0x95: {  	_ =	swait.ge [sflag:s28], $0x50  }
0x96: {  	[sflag:s28] =	ssyncset.done $0x0  }
0x97: {  	[sflag:s28] =	ssyncadd.s32 $0xFFFFFFB0  }
0x98: {  	[spmem:s1] =	stream.indirect.scatter.add.f32 [tilespmem:s22], [sflag:$0xA], $0x1, s25, s21, $0xb8;
	[tilespmem:$0x800] =	vst v63  }
.Ltmp3:
0x99: {  	(pc) =	sbr.rel .LBB2_2-.Ltmp3, $4  }
0x9a: {  	_ =	swait.ge [sflag:s31], $0x50  }
0x9b: {  	s5 =	sadd.s32 s9, s11;
	[sflag:s31] =	ssyncset.done $0x0  }
0x9c: {  	s9 =	sadd.s32 $0x32, s9;
	s13 =	sadd.s32 $0x190, s13;
	[sflag:s31] =	ssyncadd.s32 $0xFFFFFFB0  }
0x9d: {  	[tilespmem:s19], [sflag:$0x3] =	stream.linear.gather [hbm4b:s5+s3], $0x50, $0x38;
	[tilespmem:$0x800] =	vst v63  }
.LBB2_5:
0x9e: {  	_ =	sfence.sel $0x180000  }
0x9f: {  	[bflag:$0x0] =	sbarrier.arrive $0xFFFF  }
0xa0: {  	_ =	strace $0x90000047  }
0xa1: {  	s0 =	stileid.u32;
	[bflag:$0x2] =	sbarrier.arrive $0xFFFF  }
0xa2: {  	p0 =	sne.s32 s0, $0x0;
	s0 =	rddreg [dreg:$0x3]  }
0xa3: {  	s0 =	sadd.s32 @!p0 $0x100000, s0  }
0xa4: {  	[sflag:s0] =	ssyncadd.tile.s32 @!p0 $0x1;
	_ =	shalt  }
.Lfunc_end2:
_tile_overlayer_lowered:
.L_overlay_start_2:
0xa5: {  	(tag) =	ssettag $0x2  }
0xa6: {  	s0 =	rddreg [dreg:$0x0];
	s2 =	stileid.u32  }
0xa7: {  	s1 =	rddreg [dreg:$0x1];
	p0 =	sne.s32 s2, $0x0  }
0xa8: {  	s3 =	rddreg [dreg:$0x2];
	[bflag:$0x3] =	sbarrier.arrive $0xFFFF;
	s2 =	simm.s32 @!p0 $0x1C0B  }
0xa9: {  	[timem:s3], [sflag:s2] =	dma.local @!p0 [hbm:s0], s1  }
0xaa: {  	s0 =	simm.s32 @!p0 $0xB  }
0xab: {  	_ =	swait.ge @!p0 [sflag:s0], s1  }
0xac: {  	s1 =	ssub.s32 @!p0 $0x0, s1;
	[sflag:s0] =	ssyncset.done @!p0 $0x0  }
0xad: {  	[sflag:s0] =	ssyncadd.s32 @!p0 s1  }
0xae: {  	[bflag:$0x3] =	sbarrier.arrive $0xFFFF  }
0xaf: {  	_ =	shalt  }

// kernel: kernel.9.cloned.1.call-start
scs
__scs_entry_jumppad:
0x0: {  	(pc) =	sbr.rel $0x88, $3  }
0x1: {  	(tag) =	ssettag $0x0;
	lr =	simm.s32 $0x1  }
0x2: {  	[smem:$0x3F9B] =	sst lr;
	_ =	strace $0xD0000000  }
0x3: {  	_ = 	snop  }
0x4: {  	_ = 	snop  }
0x5: {  	_ = 	snop  }
0x6: {  	_ = 	snop  }
0x7: {  	_ = 	snop  }
__scs_overlays_trampoline_lowered:
0x8: {  	[smem:$0x3FAA] =	sst s0  }
0x9: {  	[smem:$0x3FAB] =	sst s1  }
0xa: {  	[smem:$0x3FAC] =	sst s2  }
0xb: {  	[smem:$0x3FAD] =	sst s3  }
0xc: {  	[smem:$0x3FAE] =	sst s4  }
0xd: {  	[smem:$0x3FAF] =	sst s5  }
0xe: {  	[smem:$0x3FB0] =	sst s6  }
0xf: {  	[smem:$0x3FB1] =	sst s7  }
0x10: {  	[smem:$0x3FB2] =	sst s8  }
0x11: {  	[smem:$0x3FB3] =	sst s9;
	s0 =	simm.s32 @!p0 $0x0  }
0x12: {  	s1 =	sld [smem:$0x3F99];
	s0 =	simm.s32 @p0 $0x1  }
0x13: {  	[smem:$0x3FB4] =	sst s0;
	s0 =	simm.s32 @!p1 $0x0  }
0x14: {  	s2 =	sld [smem:$0x3F98];
	s0 =	simm.s32 @p1 $0x1  }
0x15: {  	[smem:$0x3FB5] =	sst s0;
	s0 =	simm.s32 @!p2 $0x0  }
0x16: {  	s3 =	sld [smem:$0x3FDB];
	s0 =	simm.s32 @p2 $0x1  }
0x17: {  	s4 =	simm.s32 $0x1BF5;
	[smem:$0x3FB7] =	sst s0  }
0x18: {  	s0 =	sld [smem:$0x3F9A];
	_ =	swait.ge [sflag:s4], $0x0  }
0x19: {  	s7 =	sld [smem:$0x3F9B]  }
0x1a: {  	s8 =	sadd.s32 $0xFFFFE003, lr  }
0x1b: {  	s9 =	sadd.s32 $0xFFFFFEF7, lr;
	s5 =	simm.s32 $0xFFFFFFFF;
	p2 =	slt.u32 s8, $0xFFFFF086  }
0x1c: {  	p1 =	slt.u32 s9, $0xF7A;
	s5 =	simm.s32 @!p2 $0x0  }
0x1d: {  	s5 =	simm.s32 @p1 $0x1;
	p0 =	seq.s32 s7, s2  }
0x1e: {  	s7 =	smul.u32 @!p0 $0xF7A, s2;
	p2 =	seq.s32 @!p0 s5, $0x0  }
0x1f: {  	s9 =	smul.u32 $0xF7A, s1;
	s8 =	simm.s32 @!p0 $0x1BF5;
	p2 =	por !p2, p0  }
0x20: {  	[sflag:s8] =	ssyncset.s32 @!p0 $0xFFFFF086;
	s6 =	sadd.s32 @!p0 s3, s7;
	s7 =	simm.s32 @!p0 $0x108  }
0x21: {  	s3 =	sadd.s32 s3, s9;
	s6 =	sadd.s32 @!p0 $0x88, s6;
	s7 =	simm.s32 @p2 $0x1082  }
0x22: {  	[simem:s7], [sflag:s8] =	dma.local @!p0 [hbm:s6], $0xF7A  }
0x23: {  	s9 =	sor.u32 $0xD0000000, s2;
	s6 =	simm.s32 $0x108;
	_ =	swait.ge @!p0 [sflag:s8], $0x0  }
0x24: {  	s3 =	sadd.s32 $0x88, s3;
	s6 =	simm.s32 @!p1 $0x1082;
	[sflag:s4] =	ssyncset.s32 $0xFFFFF086  }
0x25: {  	[simem:s6], [sflag:s4] =	dma.local [hbm:s3], $0xF7A  }
0x26: {  	[smem:$0x3F9B] =	sst s1;
	(tag) =	ssettag s2;
	_ =	strace s9  }
0x27: {  	s1 =	sld [smem:$0x3FAB]  }
0x28: {  	s2 =	sld [smem:$0x3FAC]  }
0x29: {  	s4 =	sld [smem:$0x3FAE]  }
0x2a: {  	p0 =	seq.s32 s5, $0x0;
	s5 =	sld [smem:$0x3FAF]  }
0x2b: {  	s6 =	sld [smem:$0x3FB0]  }
0x2c: {  	s7 =	sld [smem:$0x3FB1]  }
0x2d: {  	s3 =	simm.s32 $0x108;
	s8 =	sld [smem:$0x3FB2]  }
0x2e: {  	s3 =	simm.s32 @!p0 $0x1082;
	s9 =	sld [smem:$0x3FB3]  }
0x2f: {  	lr =	sadd.s32 s0, s3;
	s0 =	sld [smem:$0x3FAA]  }
0x30: {  	s3 =	sld [smem:$0x3FAD]  }
0x31: {  	[smem:$0x3FB6] =	sst s10  }
0x32: {  	s10 =	sld [smem:$0x3FB4];
	_ =	sdelay $0x3  }
0x33: {  	p0 =	seq.s32 s10, $0x1;
	s10 =	sld [smem:$0x3FB6];
	_ =	sdelay $0x3  }
0x34: {  	[smem:$0x3FB6] =	sst s10  }
0x35: {  	s10 =	sld [smem:$0x3FB5];
	_ =	sdelay $0x3  }
0x36: {  	p1 =	seq.s32 s10, $0x1;
	s10 =	sld [smem:$0x3FB6];
	_ =	sdelay $0x3  }
0x37: {  	[smem:$0x3FB6] =	sst s10  }
0x38: {  	s10 =	sld [smem:$0x3FB7]  }
0x39: {  	_ = 	snop;
	(pc) =	sbr.ind lr, $3  }
0x3a: {  	_ = 	snop  }
0x3b: {  	_ = 	snop  }
0x3c: {  	p2 =	seq.s32 s10, $0x1;
	s10 =	sld [smem:$0x3FB6]  }
0x3d: {  	_ =	shalt  }
0x3e: {  	_ =	shalt  }
0x3f: {  	_ =	shalt  }
0x40: {  	_ =	shalt  }
0x41: {  	_ =	shalt  }
0x42: {  	_ =	shalt  }
0x43: {  	_ =	shalt  }
0x44: {  	_ =	shalt  }
0x45: {  	_ =	shalt  }
0x46: {  	_ =	shalt  }
0x47: {  	_ =	shalt  }
0x48: {  	_ =	shalt  }
0x49: {  	_ =	shalt  }
0x4a: {  	_ =	shalt  }
0x4b: {  	_ =	shalt  }
0x4c: {  	_ =	shalt  }
0x4d: {  	_ =	shalt  }
0x4e: {  	_ =	shalt  }
0x4f: {  	_ =	shalt  }
0x50: {  	_ =	shalt  }
0x51: {  	_ =	shalt  }
0x52: {  	_ =	shalt  }
0x53: {  	_ =	shalt  }
0x54: {  	_ =	shalt  }
0x55: {  	_ =	shalt  }
0x56: {  	_ =	shalt  }
0x57: {  	_ =	shalt  }
0x58: {  	_ =	shalt  }
0x59: {  	_ =	shalt  }
0x5a: {  	_ =	shalt  }
0x5b: {  	_ =	shalt  }
0x5c: {  	_ =	shalt  }
0x5d: {  	_ =	shalt  }
0x5e: {  	_ =	shalt  }
0x5f: {  	_ =	shalt  }
0x60: {  	_ =	shalt  }
0x61: {  	_ =	shalt  }
0x62: {  	_ =	shalt  }
0x63: {  	_ =	shalt  }
0x64: {  	_ =	shalt  }
0x65: {  	_ =	shalt  }
0x66: {  	_ =	shalt  }
0x67: {  	_ =	shalt  }
0x68: {  	_ =	shalt  }
0x69: {  	_ =	shalt  }
0x6a: {  	_ =	shalt  }
0x6b: {  	_ =	shalt  }
0x6c: {  	_ =	shalt  }
0x6d: {  	_ =	shalt  }
0x6e: {  	_ =	shalt  }
0x6f: {  	_ =	shalt  }
0x70: {  	_ =	shalt  }
0x71: {  	_ =	shalt  }
0x72: {  	_ =	shalt  }
0x73: {  	_ =	shalt  }
0x74: {  	_ =	shalt  }
0x75: {  	_ =	shalt  }
0x76: {  	_ =	shalt  }
0x77: {  	_ =	shalt  }
0x78: {  	_ =	shalt  }
0x79: {  	_ =	shalt  }
0x7a: {  	_ =	shalt  }
0x7b: {  	_ =	shalt  }
0x7c: {  	_ =	shalt  }
0x7d: {  	_ =	shalt  }
0x7e: {  	_ =	shalt  }
0x7f: {  	_ =	shalt  }
0x80: {  	_ =	shalt  }
0x81: {  	_ =	shalt  }
0x82: {  	_ =	shalt  }
0x83: {  	_ =	shalt  }
0x84: {  	_ =	shalt  }
0x85: {  	_ =	shalt  }
0x86: {  	_ =	shalt  }
0x87: {  	_ =	shalt  }
.Lfunc_end0:
.L_simem_size_0:
called_computation.1_lowered:
.L_overlay_start_0:
0x88: {  	s2 =	sld [smem:$0x3FD9]  }
0x89: {  	s3 =	sld [smem:$0x3FFE];
	_ =	sdelay $0x1  }
0x8a: {  	s1 =	srdreg.scid  }
0x8b: {  	s0 =	sand.u32 $0x1, s1  }
0x8c: {  	s17 =	sshll.u32 s0, $0xA;
	s2 =	sadd.s32 s3, s2  }
0x8d: {  	s2 =	sadd.s32 s2, s17  }
0x8e: {  	[smem:$0x3FC2] =	sst s2  }
0x8f: {  	_ = 	snop  }
0x90: {  	s2 =	sld [smem:$0x3FD0];
	(tm) =	ssettm $0x1  }
0x91: {  	s18 =	sld [smem:$0x3FFB];
	_ =	sdelay $0x3  }
0x92: {  	_ =	strace s18  }
0x93: {  	s3 =	sld [smem:$0x3FFC];
	_ =	sdelay $0x3  }
0x94: {  	_ =	strace s3  }
0x95: {  	s3 =	sld [smem:$0x3FFD];
	_ =	sdelay $0x3  }
0x96: {  	_ =	strace s3  }
0x97: {  	_ =	strace $0x8FFFFFFF  }
0x98: {  	s19 =	sld [smem:$0x3FDB];
	_ =	sdelay $0x1  }
0x99: {  	s4 =	simm.s32 $_scs_section_size  }
0x9a: {  	s5 =	simm.s32 $_size__tile_overlayer_lowered;
	s6 =	simm.s32 $_tile_overlayer_lowered  }
0x9b: {  	s22 =	simm.s32 $0x1BFF;
	s21 =	sshll.u32 s6, $0x1;
	s3 =	sadd.s32 s4, s19  }
0x9c: {  	s7 =	simm.s32 $0x0;
	s20 =	sshll.u32 s5, $0x1;
	s5 =	sadd.s32 s21, s3  }
0x9d: {  	[timem:s7], [sflag:s22] =	dma.local [hbm:s5], s20  }
0x9e: {  	_ =	swait.ge [sflag:s22], s20  }
0x9f: {  	s4 =	ssub.s32 $0x0, s20;
	[sflag:s22] =	ssyncset.done $0x0  }
0xa0: {  	[sflag:s22] =	ssyncadd.s32 s4;
	_ =	sdelay $0x1  }
0xa1: {  	s23 =	simm.s32 $0x1B8B  }
0xa2: {  	_ =	swait.ge [sflag:s23], $0x1  }
0xa3: {  	[sflag:s23] =	ssyncset.done $0x0  }
0xa4: {  	s25 =	simm.s32 $0x1B8E;
	s24 =	sld [smem:$0x3FFE];
	[sflag:s23] =	ssyncadd.s32 $0xFFFFFFFF  }
0xa5: {  	s26 =	simm.s32 $execute0_lowered;
	[smem:$0x3FD2] =	sst s25  }
0xa6: {  	s5 =	sshll.u32 s26, $0x1;
	_ =	strace $0x80000049;
	[dreg:$0x1] =	wrdreg $0xFFFFFFFF  }
0xa7: {  	s28 =	simm.s32 $_size_execute0_lowered;
	s3 =	sadd.s32 s3, s5;
	[dreg:$0x0] =	wrdreg $0x0  }
0xa8: {  	s5 =	sshll.u32 s28, $0x1;
	[dreg:$0x2] =	wrdreg s3  }
0xa9: {  	[dreg:$0x3] =	wrdreg s5  }
0xaa: {  	[dreg:$0x4] =	wrdreg $0xC0  }
0xab: {  	_ =	task [dreg:s7], $0x5FFFF  }
0xac: {  	[dreg:$0x1] =	wrdreg $0xFFFFFFFF  }
0xad: {  	[dreg:$0x0] =	wrdreg $0x60  }
0xae: {  	[dreg:$0x2] =	wrdreg s2  }
0xaf: {  	[dreg:$0x3] =	wrdreg s24  }
0xb0: {  	[dreg:$0x4] =	wrdreg $0xA4000  }
0xb1: {  	[dreg:$0x5] =	wrdreg $0x9  }
0xb2: {  	_ =	task.clear_ibuf [dreg:s7], $0x6FFFF;
	_ =	strace $0x90000049  }
0xb3: {  	s29 =	simm.s32 $0x9;
	_ =	strace $0x8000004B  }
0xb4: {  	_ =	swait.ge [sflag:s29], $0x1  }
0xb5: {  	[sflag:s29] =	ssyncadd.s32 $0xFFFFFFFF  }
0xb6: {  	_ =	strace $0x9000004B  }
0xb7: {  	_ =	sfence  }
0xb8: {  	s30 =	sld [smem:$0x0];
	_ =	sdelay $0x2  }
0xb9: {  	s31 =	sshll.u32 s1, $0xD;
	s1 =	sshrl.u32 s1, $0x2  }
0xba: {  	s3 =	sand.u32 $0x4000, s31;
	s1 =	sadd.s32 s1, s30  }
0xbb: {  	s0 =	sor.u32 s3, s0;
	s1 =	sshll.u32 s1, $0x11  }
0xbc: {  	s0 =	sor.u32 s1, s0  }
0xbd: {  	s0 =	sadd.s32 $0x8F2B, s0  }
0xbe: {  	[sflag:s0] =	ssyncadd.remote.s32 $0x1  }
0xbf: {  	_ =	sfence.sel $0xFFFF  }
0xc0: {  	[dreg:$0x0] =	wrdreg $0xFFFFFFFF;
	(pc) =	sbr.abs _section_cstart, $3  }
0xc1: {  	[dreg:$0x1] =	wrdreg $0xFFFFFFFF  }
0xc2: {  	_ =	task.clear_ibuf [dreg:s7], $0x2FFFF;
	_ =	strace $0x9FFFFFFF  }
0xc3: {  	(tm) =	ssettm $0x7FFFFFFF  }
tec
execute0_lowered:
.L_overlay_start_1:
0x0: {  	(tag) =	ssettag $0x1  }
0x1: {  	s1 =	rddreg [dreg:$0x0]  }
0x2: {  	s0 =	rddreg [dreg:$0x1]  }
0x3: {  	s3 =	rddreg [dreg:$0x2]  }
0x4: {  	s2 =	srdreg.scid;
	s10 =	stileid.u32  }
0x5: {  	s4 =	simm.s32 $0x0;
	s28 =	simm.s32 $0x2C00;
	s5 =	smul.u32 $0x50000, s10  }
0x6: {  	s29 =	simm.s32 $0x1;
	s30 =	simm.s32 $0x8;
	s7 =	smul.u32 $0x2710, s10  }
0x7: {  	s2 =	sand.u32 $0x1, s2;
	[smem:$0x7FF] =	sst s4;
	s24 =	smul.u32 $0x2800, s10  }
0x8: {  	s11 =	sadd.s32 $0x2200, s0;
	s12 =	sadd.s32 $0xC000, s0;
	s6 =	smul.u32 $0x27100, s2  }
0x9: {  	_ =	strace $0x8000004A;
	s8 =	ssub.s32 $0x2, s2;
	p0 =	seq.s32 s2, $0x1  }
0xa: {  	s2 =	simm.s32 $0x65E00;
	s9 =	sshrl.u32 s8, $0x1;
	s5 =	sshrl.u32 s5, $0x2  }
0xb: {  	s2 =	simm.s32 @!p0 $0x3DE00;
	s6 =	sadd.s32 s7, s6;
	s20 =	sadd.s32 s5, s3  }
0xc: {  	s26 =	ssub.s32 s8, s9;
	s14 =	sadd.s32 $0x2800, s20;
	[dreg:$0x4] =	wrdreg s20  }
0xd: {  	s0 =	sadd.s32 s2, s0;
	s26 =	smax.u32 s26, $0x1;
	[dreg:$0x5] =	wrdreg s14  }
0xe: {  	s13 =	sshrl.u32 s6, $0x3;
	s0 =	sadd.s32 s0, s24;
	[dreg:$0xe] =	wrdreg s26  }
0xf: {  	s31 =	simm.s32 $0x7C00;
	s15 =	sadd.s32 s11, s13;
	[dreg:$0xf] =	wrdreg s0  }
0x10: {  	s25 =	sadd.s32 $0x230, s6;
	s17 =	sadd.s32 s12, s13;
	[dreg:$0x6] =	wrdreg s15  }
0x11: {  	s7 =	sshrl.u32 s25, $0x3;
	s25 =	sadd.s32 $0xF000, s20;
	[dreg:$0x7] =	wrdreg s17  }
0x12: {  	s16 =	sadd.s32 $0xA, s13;
	s26 =	sadd.s32 $0x11800, s20;
	[dreg:$0x19] =	wrdreg s25  }
0x13: {  	s9 =	sadd.s32 $0x190, s6;
	s18 =	sadd.s32 s11, s16;
	[dreg:$0x1a] =	wrdreg s26  }
0x14: {  	s19 =	sadd.s32 $0x14, s13;
	s8 =	sadd.s32 s12, s16;
	[dreg:$0x8] =	wrdreg s18  }
0x15: {  	s5 =	sadd.s32 $0x1E, s13;
	s21 =	sadd.s32 s11, s19;
	[dreg:$0x9] =	wrdreg s8  }
0x16: {  	s13 =	sshrl.u32 s9, $0x3;
	s22 =	sadd.s32 s12, s19;
	[dreg:$0xa] =	wrdreg s21  }
0x17: {  	s9 =	simm.s32 $0x5;
	s23 =	sadd.s32 s11, s5;
	[dreg:$0xb] =	wrdreg s22  }
0x18: {  	s5 =	sadd.s32 s12, s5;
	s2 =	sadd.s32 s7, s12;
	[dreg:$0xc] =	wrdreg s23  }
0x19: {  	s0 =	sadd.s32 s7, s11;
	s15 =	sadd.s32 s13, s12;
	[dreg:$0xd] =	wrdreg s5  }
0x1a: {  	s24 =	sadd.s32 s13, s11;
	s16 =	sadd.s32 $0x140, s6;
	[dreg:$0x10] =	wrdreg s2  }
0x1b: {  	s17 =	sadd.s32 $0x5000, s20;
	s19 =	sadd.s32 $0xA000, s20;
	[dreg:$0x11] =	wrdreg s0  }
0x1c: {  	s26 =	simm.s32 $0x50;
	s25 =	simm.s32 $0x5400;
	[dreg:$0x1b] =	wrdreg s15  }
0x1d: {  	s7 =	simm.s32 $0x3;
	s8 =	sadd.s32 $0x1E0, s6;
	[dreg:$0x14] =	wrdreg s16  }
0x1e: {  	s22 =	smov.u32 s12;
	s21 =	smov.u32 s11;
	[dreg:$0x15] =	wrdreg s17  }
0x1f: {  	s18 =	sadd.s32 $0x7800, s20;
	[dreg:$0x17] =	wrdreg s19;
	s23 =	sadd.s32 $0xC800, s20  }
0x20: {  	s2 =	simm.s32 $0x400;
	s15 =	simm.s32 $0x7;
	s16 =	simm.s32 $0x300  }
0x21: {  	s17 =	simm.s32 $0x180;
	s6 =	simm.s32 $0x0;
	[dreg:$0x16] =	wrdreg s18  }
.Ltmp0:
0x22: {  	s10 =	sshrl.u32 s8, $0x3;
	[dreg:$0x18] =	wrdreg s23;
	(pc) =	sbr.rel .LBB2_1-.Ltmp0, $4  }
0x23: {  	s8 =	simm.s32 $0x9;
	s18 =	simm.s32 $0x380;
	s23 =	simm.s32 $0x80  }
0x24: {  	s14 =	sadd.s32 s10, s12;
	s0 =	sadd.s32 s10, s11;
	s10 =	simm.s32 $0x200  }
0x25: {  	s12 =	simm.s32 $0x6;
	s11 =	simm.s32 $0x4;
	[dreg:$0x12] =	wrdreg s14  }
0x26: {  	v0 =	vimm.f32 $0.0e+00;
	[dreg:$0x13] =	wrdreg s0;
	s14 =	simm.s32 $0x100;
	s0 =	simm.s32 $0x2  }
.LBB2_6:
0x27: {  	_ =	swait.ge [sflag:s11], $0x2800  }
0x28: {  	[sflag:s11] =	ssyncset.done $0x0  }
0x29: {  	[sflag:s11] =	ssyncadd.s32 $0xFFFFD800  }
0x2a: {  	[spmem:s3] =	stream.indirect.scatter.add.f32 [tilespmem:s31], [sflag:$0x9], $0x80, s18, s26, $0xb8;
	[tilespmem:$0x1E400] =	vst v63  }
0x2b: {  	_ =	swait.ge [sflag:s8], $0x2800  }
0x2c: {  	[sflag:s8] =	ssyncset.done $0x0  }
0x2d: {  	[sflag:s8] =	ssyncadd.s32 $0xFFFFD800  }
0x2e: {  	_ =	swait.ge [sflag:s29], $0x2800  }
0x2f: {  	[sflag:s29] =	ssyncset.done $0x0  }
0x30: {  	[sflag:s29] =	ssyncadd.s32 $0xFFFFD800  }
0x31: {  	[spmem:s3] =	stream.indirect.scatter.add.f32 [tilespmem:s2], [sflag:$0x9], $0x80, s10, s26, $0xb8;
	[tilespmem:$0x1E400] =	vst v63  }
0x32: {  	_ =	swait.ge [sflag:s8], $0x2800  }
0x33: {  	[sflag:s8] =	ssyncset.done $0x0  }
0x34: {  	[sflag:s8] =	ssyncadd.s32 $0xFFFFD800  }
0x35: {  	s5 =	stileid.u32;
	[bflag:$0x0] =	sbarrier.arrive $0xFFFF  }
0x36: {  	s5 =	sshll.u32 s5, $0x6;
	s20 =	rddreg [dreg:$0x4]  }
0x37: {  	s5 =	sor.u32 $0x1C09, s5;
	s13 =	rddreg [dreg:$0xf];
	s6 =	sshrl.u32 s20, $0x3  }
0x38: {  	[hbm:s13], [sflag:s5] =	dma.local [spmem:s6], $0x2800  }
0x39: {  	_ =	swait.ge [sflag:s8], $0x2800  }
0x3a: {  	s13 =	rddreg [dreg:$0x1c]  }
0x3b: {  	s19 =	rddreg [dreg:$0xe];
	s6 =	sadd.s32 $0x1, s13  }
0x3c: {  	p0 =	sne.s32 s6, s19  }
.Ltmp1:
0x3d: {  	_ = 	snop;
	(pc) =	sbr.rel @!p0 .LBB2_7-.Ltmp1, $3  }
0x3e: {  	_ =	sdelay $0x1  }
0x3f: {  	[sflag:s8] =	ssyncset.done $0x0  }
0x40: {  	[sflag:s8] =	ssyncadd.s32 $0xFFFFD800  }
.LBB2_1:
0x41: {  	s5 =	sand.u32 $0xFE00, s4  }
0x42: {  	[dreg:$0x1c] =	wrdreg s6;
	s19 =	sand.u32 $0x70, s4;
	s13 =	sshrl.u32 s5, $0x2  }
0x43: {  	s5 =	simm.s32 $0x40;
	s6 =	sor.u32 s19, s13;
	s13 =	simm.s32 $0x0  }
.LBB2_2:
0x44: {  	p0 =	sne.s32 s5, $0x9FC0  }
0x45: {  	[tilespmem:s6+$0x400] =	vst v0;
	s13 =	sadd.s32 $0x10, s13;
	s6 =	smov.u32 s5;
	s5 =	sadd.s32 $0x40, s5  }
.Ltmp2:
0x46: {  	(pc) =	sbr.rel @p0 .LBB2_2-.Ltmp2, $4  }
0x47: {  	_ = 	snop  }
0x48: {  	s6 =	sand.u32 $0xFE00, s6  }
0x49: {  	s19 =	sand.u32 $0x70, s13;
	s6 =	sshrl.u32 s6, $0x2  }
0x4a: {  	s6 =	sor.u32 s19, s6  }
0x4b: {  	[tilespmem:s6+$0x400] =	vst v0  }
0x4c: {  	[spmem:s20] =	stream.linear.scatter [tilespmem:s2], [sflag:$0x9], $0x2800, $0x38;
	[tilespmem:$0x1E400] =	vst v63  }
0x4d: {  	_ =	swait.ge [sflag:s8], $0x2800  }
0x4e: {  	[sflag:s8] =	ssyncset.done $0x0  }
0x4f: {  	s5 =	rddreg [dreg:$0x5];
	[sflag:s8] =	ssyncadd.s32 $0xFFFFD800  }
0x50: {  	[spmem:s5] =	stream.linear.scatter [tilespmem:s2], [sflag:$0x9], $0x2800, $0x38;
	[tilespmem:$0x1E400] =	vst v63  }
0x51: {  	_ =	swait.ge [sflag:s8], $0x2800  }
0x52: {  	[sflag:s8] =	ssyncset.done $0x0  }
0x53: {  	s13 =	rddreg [dreg:$0x15];
	[sflag:s8] =	ssyncadd.s32 $0xFFFFD800  }
0x54: {  	[spmem:s13] =	stream.linear.scatter [tilespmem:s2], [sflag:$0x9], $0x2800, $0x38;
	[tilespmem:$0x1E400] =	vst v63  }
0x55: {  	_ =	swait.ge [sflag:s8], $0x2800  }
0x56: {  	[sflag:s8] =	ssyncset.done $0x0  }
0x57: {  	s19 =	rddreg [dreg:$0x16];
	[sflag:s8] =	ssyncadd.s32 $0xFFFFD800  }
0x58: {  	[spmem:s19] =	stream.linear.scatter [tilespmem:s2], [sflag:$0x9], $0x2800, $0x38;
	[tilespmem:$0x1E400] =	vst v63  }
0x59: {  	_ =	swait.ge [sflag:s8], $0x2800  }
0x5a: {  	[sflag:s8] =	ssyncset.done $0x0  }
0x5b: {  	s20 =	rddreg [dreg:$0x17];
	[sflag:s8] =	ssyncadd.s32 $0xFFFFD800  }
0x5c: {  	[spmem:s20] =	stream.linear.scatter [tilespmem:s2], [sflag:$0x9], $0x2800, $0x38;
	[tilespmem:$0x1E400] =	vst v63  }
0x5d: {  	_ =	swait.ge [sflag:s8], $0x2800  }
0x5e: {  	[sflag:s8] =	ssyncset.done $0x0  }
0x5f: {  	s6 =	rddreg [dreg:$0x18];
	[sflag:s8] =	ssyncadd.s32 $0xFFFFD800  }
0x60: {  	[spmem:s6] =	stream.linear.scatter [tilespmem:s2], [sflag:$0x9], $0x2800, $0x38;
	[tilespmem:$0x1E400] =	vst v63  }
0x61: {  	_ =	swait.ge [sflag:s8], $0x2800  }
0x62: {  	[sflag:s8] =	ssyncset.done $0x0  }
0x63: {  	s13 =	rddreg [dreg:$0x19];
	[sflag:s8] =	ssyncadd.s32 $0xFFFFD800  }
0x64: {  	[spmem:s13] =	stream.linear.scatter [tilespmem:s2], [sflag:$0x9], $0x2800, $0x38;
	[tilespmem:$0x1E400] =	vst v63  }
0x65: {  	_ =	swait.ge [sflag:s8], $0x2800  }
0x66: {  	[sflag:s8] =	ssyncset.done $0x0  }
0x67: {  	s19 =	rddreg [dreg:$0x1a];
	[sflag:s8] =	ssyncadd.s32 $0xFFFFD800  }
0x68: {  	[spmem:s19] =	stream.linear.scatter [tilespmem:s2], [sflag:$0x9], $0x2800, $0x38;
	[tilespmem:$0x1E400] =	vst v63  }
0x69: {  	_ =	swait.ge [sflag:s8], $0x2800  }
0x6a: {  	[sflag:s8] =	ssyncset.done $0x0  }
0x6b: {  	[sflag:s8] =	ssyncadd.s32 $0xFFFFD800  }
0x6c: {  	[bflag:$0x0] =	sbarrier.arrive $0xFFFF  }
0x6d: {  	s13 =	simm.s32 $0x0;
	s20 =	rddreg [dreg:$0x6]  }
0x6e: {  	[tilespmem:s13], [sflag:$0x5] =	stream.linear.gather [hbm4b:s20+s13], $0x50, $0x38;
	[tilespmem:$0x1E400] =	vst v63  }
0x6f: {  	_ =	swait.ge [sflag:s9], $0x50  }
0x70: {  	[sflag:s9] =	ssyncset.done $0x0  }
0x71: {  	s6 =	rddreg [dreg:$0x7];
	[sflag:s9] =	ssyncadd.s32 $0xFFFFFFB0  }
0x72: {  	[tilespmem:s10], [sflag:$0x5] =	stream.linear.gather [hbm4b:s6+s13], $0x50, $0x38;
	[tilespmem:$0x1E400] =	vst v63  }
0x73: {  	_ =	swait.ge [sflag:s9], $0x50  }
0x74: {  	[sflag:s9] =	ssyncset.done $0x0  }
0x75: {  	s6 =	simm.s32 $0x80;
	s19 =	rddreg [dreg:$0x8];
	[sflag:s9] =	ssyncadd.s32 $0xFFFFFFB0  }
0x76: {  	[tilespmem:s6], [sflag:$0x6] =	stream.linear.gather [hbm4b:s19+s13], $0x50, $0x38;
	[tilespmem:$0x1E400] =	vst v63  }
0x77: {  	_ =	swait.ge [sflag:s12], $0x50  }
0x78: {  	[sflag:s12] =	ssyncset.done $0x0  }
0x79: {  	s19 =	simm.s32 $0x280;
	s20 =	rddreg [dreg:$0x9];
	[sflag:s12] =	ssyncadd.s32 $0xFFFFFFB0  }
0x7a: {  	[tilespmem:s19], [sflag:$0x6] =	stream.linear.gather [hbm4b:s20+s13], $0x50, $0x38;
	[tilespmem:$0x1E400] =	vst v63  }
0x7b: {  	_ =	swait.ge [sflag:s12], $0x50  }
0x7c: {  	[sflag:s12] =	ssyncset.done $0x0  }
0x7d: {  	s19 =	rddreg [dreg:$0xa];
	[sflag:s12] =	ssyncadd.s32 $0xFFFFFFB0  }
0x7e: {  	[tilespmem:s14], [sflag:$0x7] =	stream.linear.gather [hbm4b:s19+s13], $0x50, $0x38;
	[tilespmem:$0x1E400] =	vst v63  }
0x7f: {  	_ =	swait.ge [sflag:s15], $0x50  }
0x80: {  	[sflag:s15] =	ssyncset.done $0x0  }
0x81: {  	s20 =	rddreg [dreg:$0xb];
	[sflag:s15] =	ssyncadd.s32 $0xFFFFFFB0  }
0x82: {  	[tilespmem:s16], [sflag:$0x7] =	stream.linear.gather [hbm4b:s20+s13], $0x50, $0x38;
	[tilespmem:$0x1E400] =	vst v63  }
0x83: {  	_ =	swait.ge [sflag:s15], $0x50  }
0x84: {  	[sflag:s15] =	ssyncset.done $0x0  }
0x85: {  	s19 =	rddreg [dreg:$0xc];
	[sflag:s15] =	ssyncadd.s32 $0xFFFFFFB0  }
0x86: {  	[tilespmem:s17], [sflag:$0x8] =	stream.linear.gather [hbm4b:s19+s13], $0x50, $0x38;
	[tilespmem:$0x1E400] =	vst v63  }
0x87: {  	s20 =	rddreg [dreg:$0xd]  }
0x88: {  	[tilespmem:s18], [sflag:$0x8] =	stream.linear.gather [hbm4b:s20+s13], $0x50, $0x38;
	[tilespmem:$0x1E400] =	vst v63  }
0x89: {  	_ = 	snop  }
0x8a: {  	[tilespmem:s2], [sflag:$0x1] =	stream.indirect.gather [hbm4b:s1+s26], $0x80, s13, s26, $0xb8;
	[tilespmem:$0x1E400] =	vst v63  }
0x8b: {  	_ = 	snop  }
0x8c: {  	[tilespmem:s28], [sflag:$0x2] =	stream.indirect.gather [hbm4b:s1+s26], $0x80, s6, s26, $0xb8;
	[tilespmem:$0x1E400] =	vst v63  }
0x8d: {  	s5 =	rddreg [dreg:$0x14]  }
0x8e: {  	[tilespmem:s25], [sflag:$0x3] =	stream.indirect.gather [hbm4b:s1+s26], $0x80, s14, s26, $0xb8;
	[tilespmem:$0x1E400] =	vst v63  }
.LBB2_4:
0x8f: {  	_ =	swait.ge [sflag:s29], $0x2800  }
0x90: {  	[sflag:s29] =	ssyncset.done $0x0  }
0x91: {  	[sflag:s29] =	ssyncadd.s32 $0xFFFFD800  }
0x92: {  	[spmem:s3] =	stream.indirect.scatter.add.f32 [tilespmem:s2], [sflag:$0x9], $0x80, s10, s26, $0xb8;
	[tilespmem:$0x1E400] =	vst v63  }
0x93: {  	_ =	swait.ge [sflag:s8], $0x2800  }
0x94: {  	s6 =	sshrl.u32 s5, $0x3;
	[sflag:s8] =	ssyncset.done $0x0  }
0x95: {  	s19 =	sadd.s32 s21, s6;
	[sflag:s8] =	ssyncadd.s32 $0xFFFFD800  }
0x96: {  	[tilespmem:s4], [sflag:$0x5] =	stream.linear.gather [hbm4b:s19+s4], $0x50, $0x38;
	[tilespmem:$0x1E400] =	vst v63  }
0x97: {  	s6 =	sadd.s32 s22, s6  }
0x98: {  	[tilespmem:s10], [sflag:$0x5] =	stream.linear.gather [hbm4b:s6+s4], $0x50, $0x38;
	[tilespmem:$0x1E400] =	vst v63  }
0x99: {  	_ =	swait.ge [sflag:s30], $0x50  }
0x9a: {  	[sflag:s30] =	ssyncset.done $0x0  }
0x9b: {  	[sflag:s30] =	ssyncadd.s32 $0xFFFFFFB0  }
0x9c: {  	_ =	swait.ge [sflag:s30], $0x50  }
0x9d: {  	[sflag:s30] =	ssyncset.done $0x0  }
0x9e: {  	[sflag:s30] =	ssyncadd.s32 $0xFFFFFFB0  }
0x9f: {  	[tilespmem:s31], [sflag:$0x4] =	stream.indirect.gather [hbm4b:s1+s26], $0x80, s17, s26, $0xb8;
	[tilespmem:$0x1E400] =	vst v63  }
0xa0: {  	_ =	swait.ge [sflag:s0], $0x2800  }
0xa1: {  	[sflag:s0] =	ssyncset.done $0x0  }
0xa2: {  	s20 =	simm.s32 $0x280;
	[sflag:s0] =	ssyncadd.s32 $0xFFFFD800  }
0xa3: {  	[spmem:s3] =	stream.indirect.scatter.add.f32 [tilespmem:s28], [sflag:$0x9], $0x80, s20, s26, $0xb8;
	[tilespmem:$0x1E400] =	vst v63  }
0xa4: {  	p0 =	seq.s32 s13, $0x4B0;
	_ =	swait.ge [sflag:s8], $0x2800  }
0xa5: {  	s19 =	simm.s32 @!p0 $0x0;
	[sflag:s8] =	ssyncset.done $0x0  }
0xa6: {  	s6 =	sadd.s32 @!p0 s13, s24;
	s20 =	simm.s32 @!p0 $0x80;
	[sflag:s8] =	ssyncadd.s32 $0xFFFFD800  }
0xa7: {  	[tilespmem:s20], [sflag:$0x6] =	stream.linear.gather @!p0 [hbm4b:s6+s19], $0x50, $0x38;
	[tilespmem:$0x1E400] =	vst v63  }
0xa8: {  	s6 =	rddreg [dreg:$0x1b]  }
0xa9: {  	s20 =	simm.s32 @!p0 $0x280;
	s6 =	sadd.s32 @!p0 s13, s6  }
0xaa: {  	[tilespmem:s20], [sflag:$0x6] =	stream.linear.gather @!p0 [hbm4b:s6+s19], $0x50, $0x38;
	[tilespmem:$0x1E400] =	vst v63  }
0xab: {  	_ =	swait.ge [sflag:s9], $0x50  }
0xac: {  	[sflag:s9] =	ssyncset.done $0x0  }
0xad: {  	[sflag:s9] =	ssyncadd.s32 $0xFFFFFFB0  }
0xae: {  	_ =	swait.ge [sflag:s9], $0x50  }
0xaf: {  	[sflag:s9] =	ssyncset.done $0x0  }
0xb0: {  	[sflag:s9] =	ssyncadd.s32 $0xFFFFFFB0  }
0xb1: {  	[tilespmem:s2], [sflag:$0x1] =	stream.indirect.gather [hbm4b:s1+s26], $0x80, s4, s26, $0xb8;
	[tilespmem:$0x1E400] =	vst v63  }
0xb2: {  	_ =	swait.ge [sflag:s7], $0x2800  }
0xb3: {  	[sflag:s7] =	ssyncset.done $0x0  }
.Ltmp3:
0xb4: {  	[sflag:s7] =	ssyncadd.s32 $0xFFFFD800;
	(pc) =	sbr.rel @p0 .LBB2_6-.Ltmp3, $4  }
0xb5: {  	[spmem:s3] =	stream.indirect.scatter.add.f32 [tilespmem:s25], [sflag:$0x9], $0x80, s16, s26, $0xb8;
	[tilespmem:$0x1E400] =	vst v63  }
0xb6: {  	_ =	swait.ge [sflag:s8], $0x2800  }
0xb7: {  	[sflag:s8] =	ssyncset.done $0x0  }
0xb8: {  	[sflag:s8] =	ssyncadd.s32 $0xFFFFD800  }
0xb9: {  	s6 =	rddreg [dreg:$0x13]  }
0xba: {  	s20 =	rddreg [dreg:$0x12];
	s6 =	sadd.s32 s13, s6  }
0xbb: {  	[tilespmem:s14], [sflag:$0x7] =	stream.linear.gather [hbm4b:s6+s4], $0x50, $0x38;
	[tilespmem:$0x1E400] =	vst v63  }
0xbc: {  	s6 =	sadd.s32 s13, s20  }
0xbd: {  	[tilespmem:s16], [sflag:$0x7] =	stream.linear.gather [hbm4b:s6+s4], $0x50, $0x38;
	[tilespmem:$0x1E400] =	vst v63  }
0xbe: {  	_ =	swait.ge [sflag:s12], $0x50  }
0xbf: {  	[sflag:s12] =	ssyncset.done $0x0  }
0xc0: {  	[sflag:s12] =	ssyncadd.s32 $0xFFFFFFB0  }
0xc1: {  	_ =	swait.ge [sflag:s12], $0x50  }
0xc2: {  	[sflag:s12] =	ssyncset.done $0x0  }
0xc3: {  	[sflag:s12] =	ssyncadd.s32 $0xFFFFFFB0  }
0xc4: {  	[tilespmem:s28], [sflag:$0x2] =	stream.indirect.gather [hbm4b:s1+s26], $0x80, s23, s26, $0xb8;
	[tilespmem:$0x1E400] =	vst v63  }
0xc5: {  	_ =	swait.ge [sflag:s11], $0x2800  }
0xc6: {  	[sflag:s11] =	ssyncset.done $0x0  }
0xc7: {  	[sflag:s11] =	ssyncadd.s32 $0xFFFFD800  }
0xc8: {  	[spmem:s3] =	stream.indirect.scatter.add.f32 [tilespmem:s31], [sflag:$0x9], $0x80, s18, s26, $0xb8;
	[tilespmem:$0x1E400] =	vst v63  }
0xc9: {  	_ =	swait.ge [sflag:s8], $0x2800  }
0xca: {  	[sflag:s8] =	ssyncset.done $0x0;
	s19 =	rddreg [dreg:$0x11]  }
0xcb: {  	s20 =	rddreg [dreg:$0x10];
	[sflag:s8] =	ssyncadd.s32 $0xFFFFD800;
	s6 =	sadd.s32 s13, s19  }
0xcc: {  	[tilespmem:s17], [sflag:$0x8] =	stream.linear.gather [hbm4b:s6+s4], $0x50, $0x38;
	[tilespmem:$0x1E400] =	vst v63  }
0xcd: {  	s6 =	sadd.s32 s13, s20  }
0xce: {  	[tilespmem:s18], [sflag:$0x8] =	stream.linear.gather [hbm4b:s6+s4], $0x50, $0x38;
	[tilespmem:$0x1E400] =	vst v63  }
0xcf: {  	_ =	swait.ge [sflag:s15], $0x50  }
0xd0: {  	[sflag:s15] =	ssyncset.done $0x0  }
.Ltmp4:
0xd1: {  	[sflag:s15] =	ssyncadd.s32 $0xFFFFFFB0;
	(pc) =	sbr.rel .LBB2_4-.Ltmp4, $4  }
0xd2: {  	_ =	swait.ge [sflag:s15], $0x50  }
0xd3: {  	[sflag:s15] =	ssyncset.done $0x0  }
0xd4: {  	s5 =	sadd.s32 $0x140, s5;
	s13 =	sadd.s32 $0x28, s13;
	[sflag:s15] =	ssyncadd.s32 $0xFFFFFFB0  }
0xd5: {  	[tilespmem:s25], [sflag:$0x3] =	stream.indirect.gather [hbm4b:s1+s26], $0x80, s14, s26, $0xb8;
	[tilespmem:$0x1E400] =	vst v63  }
.LBB2_7:
0xd6: {  	_ =	sfence.sel $0x180000  }
0xd7: {  	[bflag:$0x0] =	sbarrier.arrive $0xFFFF  }
0xd8: {  	_ =	strace $0x9000004A  }
0xd9: {  	s0 =	stileid.u32;
	[bflag:$0x2] =	sbarrier.arrive $0xFFFF  }
0xda: {  	p0 =	sne.s32 s0, $0x0;
	s0 =	rddreg [dreg:$0x3]  }
0xdb: {  	s0 =	sadd.s32 @!p0 $0x100000, s0  }
0xdc: {  	[sflag:s0] =	ssyncadd.tile.s32 @!p0 $0x1;
	_ =	shalt  }
.Lfunc_end2:
_tile_overlayer_lowered:
.L_overlay_start_2:
0xdd: {  	(tag) =	ssettag $0x2  }
0xde: {  	s0 =	rddreg [dreg:$0x0];
	s2 =	stileid.u32  }
0xdf: {  	s1 =	rddreg [dreg:$0x1];
	p0 =	sne.s32 s2, $0x0  }
0xe0: {  	s3 =	rddreg [dreg:$0x2];
	[bflag:$0x3] =	sbarrier.arrive $0xFFFF;
	s2 =	simm.s32 @!p0 $0x1C09  }
0xe1: {  	[timem:s3], [sflag:s2] =	dma.local @!p0 [hbm:s0], s1  }
0xe2: {  	s0 =	simm.s32 @!p0 $0x9  }
0xe3: {  	_ =	swait.ge @!p0 [sflag:s0], s1  }
0xe4: {  	s1 =	ssub.s32 @!p0 $0x0, s1;
	[sflag:s0] =	ssyncset.done @!p0 $0x0  }
0xe5: {  	[sflag:s0] =	ssyncadd.s32 @!p0 s1  }
0xe6: {  	[bflag:$0x3] =	sbarrier.arrive $0xFFFF  }
0xe7: {  	_ =	shalt  }

</sc_bundles>
